<compile_context>
chip_gen: v7x
topology: tpu7x:2x2x1
jax: 0.10.2.dev20260603
libtpu: 0.0.44.dev20260713+nightly
codegen_flags: <defaults>
</compile_context>

<pallas_src>
import functools

import jax
import jax.numpy as jnp
import numpy as np
from jax import lax
from jax.experimental import pallas as pl
from jax.experimental.pallas import tpu as pltpu
from jax.experimental.pallas import tpu_sc as plsc

N_NODES = 10000
N_EDGES = 5000
NNZ = 320000
D = 128

NUM_TILES = 32
CHUNK = 128
CHUNKS_PER_TILE = 80
NNZ_PAD = NUM_TILES * CHUNKS_PER_TILE * CHUNK

E_PAD = 5120
N_PAD = 10112

_BN_INV = 1.0 / float(np.sqrt(1.0 + 1e-5))


def _sc_segment_sum(table, idx_g, idx_s, s_pad, n_buf, piece):
  mesh = plsc.VectorSubcoreMesh(core_axis_name="c", subcore_axis_name="s")
  zero_blk = jnp.zeros((CHUNK, D), jnp.float32)
  n_zero_chunks = s_pad // CHUNK
  n_pieces = CHUNKS_PER_TILE // piece
  assert CHUNKS_PER_TILE % piece == 0 and piece % n_buf == 0

  @functools.partial(
      pl.kernel,
      out_type=jax.ShapeDtypeStruct((2 * s_pad, D), jnp.float32),
      mesh=mesh,
      scratch_types=[
          pltpu.VMEM((piece, CHUNK), jnp.int32),
          pltpu.VMEM((piece, CHUNK), jnp.int32),
          pltpu.VMEM((n_buf, CHUNK, D), jnp.float32),
          pltpu.VMEM_SHARED((s_pad, D), jnp.float32),
      ] + [pltpu.SemaphoreType.DMA] * n_buf,
  )
  def sc_kernel(table_hbm, idxg_hbm, idxs_hbm, zeros_hbm, out_hbm,
                idxg_v, idxs_v, rows_v, acc_sh, *sems):
    cid = lax.axis_index("c")
    sid = lax.axis_index("s")
    wid = sid * 2 + cid

    @pl.loop(0, (n_zero_chunks + 15) // 16)
    def _(j):
      c = j * 16 + sid

      @pl.when(c < n_zero_chunks)
      def _():
        pltpu.sync_copy(zeros_hbm, acc_sh.at[pl.ds(c * CHUNK, CHUNK)])

    def gather(j, b):
      pltpu.async_copy(table_hbm.at[idxg_v.at[j]], rows_v.at[b], sems[b])

    def gwait(j, b):
      pltpu.make_async_copy(table_hbm.at[idxg_v.at[j]], rows_v.at[b],
                            sems[b]).wait()

    def scat(j, b):
      pltpu.sync_copy(rows_v.at[b], acc_sh.at[idxs_v.at[j]], add=True)

    barriered = False
    for p in range(n_pieces):
      base = wid * CHUNKS_PER_TILE + p * piece
      pltpu.sync_copy(idxg_hbm.at[pl.ds(base, piece)], idxg_v)
      pltpu.sync_copy(idxs_hbm.at[pl.ds(base, piece)], idxs_v)

      if not barriered:
        plsc.subcore_barrier()
        barriered = True

      for b in range(n_buf):
        gather(b, b)

      @pl.loop(0, piece // n_buf - 1)
      def _(h):
        j0 = n_buf * h
        for b in range(n_buf):
          gwait(j0 + b, b)
          scat(j0 + b, b)
          gather(j0 + n_buf + b, b)

      j_last = piece - n_buf
      for b in range(n_buf):
        gwait(j_last + b, b)
        scat(j_last + b, b)

    plsc.subcore_barrier()

    @pl.loop(0, (n_zero_chunks + 15) // 16)
    def _(j):
      c = j * 16 + sid

      @pl.when(c < n_zero_chunks)
      def _():
        pltpu.sync_copy(acc_sh.at[pl.ds(c * CHUNK, CHUNK)],
                        out_hbm.at[pl.ds(cid * s_pad + c * CHUNK, CHUNK)])

  return sc_kernel(table, idx_g, idx_s, zero_blk)


def _tc_node_messages(x_0, W_nm, b_nm):
  B = 1000

  def body(x_ref, w_ref, b_ref, o_ref):
    z = jnp.dot(x_ref[...], w_ref[...], preferred_element_type=jnp.float32)
    o_ref[...] = jax.nn.sigmoid(z + b_ref[...])

  return pl.pallas_call(
      body,
      grid=(N_NODES // B,),
      in_specs=[
          pl.BlockSpec((B, D), lambda i: (i, 0)),
          pl.BlockSpec((D, D), lambda i: (0, 0)),
          pl.BlockSpec((1, D), lambda i: (0, 0)),
      ],
      out_specs=pl.BlockSpec((B, D), lambda i: (i, 0)),
      out_shape=jax.ShapeDtypeStruct((N_NODES, D), jnp.float32),
  )(x_0, W_nm, b_nm.reshape(1, D))


def _tc_edge_stage(x_1, parts_e, W_top, W_bot, b_hm, gamma1, beta1):
  B = 1000

  def body(x_ref, p_ref, wt_ref, wb_ref, b_ref, g_ref, be_ref,
           msg_ref, out1_ref):
    agg = p_ref[0] + p_ref[1]
    x = x_ref[...]
    z = jnp.dot(x, wt_ref[...], preferred_element_type=jnp.float32)
    z += jnp.dot(agg, wb_ref[...], preferred_element_type=jnp.float32)
    msg_ref[...] = jax.nn.sigmoid(z + b_ref[...])
    out1_ref[...] = jax.nn.sigmoid(x * (g_ref[...] * _BN_INV) + be_ref[...]
                                   + agg)

  return pl.pallas_call(
      body,
      grid=(N_EDGES // B,),
      in_specs=[
          pl.BlockSpec((B, D), lambda i: (i, 0)),
          pl.BlockSpec((2, B, D), lambda i: (0, i, 0)),
          pl.BlockSpec((D, D), lambda i: (0, 0)),
          pl.BlockSpec((D, D), lambda i: (0, 0)),
          pl.BlockSpec((1, D), lambda i: (0, 0)),
          pl.BlockSpec((1, D), lambda i: (0, 0)),
          pl.BlockSpec((1, D), lambda i: (0, 0)),
      ],
      out_specs=[
          pl.BlockSpec((B, D), lambda i: (i, 0)),
          pl.BlockSpec((B, D), lambda i: (i, 0)),
      ],
      out_shape=[
          jax.ShapeDtypeStruct((N_EDGES, D), jnp.float32),
          jax.ShapeDtypeStruct((N_EDGES, D), jnp.float32),
      ],
  )(x_1, parts_e, W_top, W_bot, b_hm.reshape(1, D), gamma1.reshape(1, D),
    beta1.reshape(1, D))


def _tc_node_update(x_0, parts_n, gamma0, beta0):
  B = 1000

  def body(x_ref, p_ref, g_ref, be_ref, o_ref):
    agg = p_ref[0] + p_ref[1]
    o_ref[...] = jax.nn.sigmoid(x_ref[...] * (g_ref[...] * _BN_INV)
                                + be_ref[...] + agg)

  return pl.pallas_call(
      body,
      grid=(N_NODES // B,),
      in_specs=[
          pl.BlockSpec((B, D), lambda i: (i, 0)),
          pl.BlockSpec((2, B, D), lambda i: (0, i, 0)),
          pl.BlockSpec((1, D), lambda i: (0, 0)),
          pl.BlockSpec((1, D), lambda i: (0, 0)),
      ],
      out_specs=pl.BlockSpec((B, D), lambda i: (i, 0)),
      out_shape=jax.ShapeDtypeStruct((N_NODES, D), jnp.float32),
  )(x_0, parts_n, gamma0.reshape(1, D), beta0.reshape(1, D))


def kernel(x_0, x_1, incidence_indices, W_nm, b_nm, W_hm, b_hm,
           gamma0, beta0, gamma1, beta1):
  src = incidence_indices[0]
  tgt = incidence_indices[1]
  pad = NNZ_PAD - NNZ

  ar = jnp.arange(pad, dtype=jnp.int32)
  gpad_n = ar % N_NODES
  gpad_e = ar % N_EDGES
  spad_e = N_EDGES + ar % (E_PAD - N_EDGES)
  spad_n = N_NODES + ar % (N_PAD - N_NODES)
  src_g = jnp.concatenate([src, gpad_n]).reshape(-1, CHUNK)
  tgt_s = jnp.concatenate([tgt, spad_e]).reshape(-1, CHUNK)
  tgt_g = jnp.concatenate([tgt, gpad_e]).reshape(-1, CHUNK)
  src_s = jnp.concatenate([src, spad_n]).reshape(-1, CHUNK)

  W_top = W_hm[:D]
  W_bot = W_hm[D:]

  x_msg_nodes = _tc_node_messages(x_0, W_nm, b_nm)
  parts_e = _sc_segment_sum(x_msg_nodes, src_g, tgt_s, E_PAD,
                            n_buf=4, piece=80)
  x_msg_edges, out_x1 = _tc_edge_stage(
      x_1, parts_e.reshape(2, E_PAD, D), W_top, W_bot, b_hm, gamma1, beta1)
  parts_n = _sc_segment_sum(x_msg_edges, tgt_g, src_s, N_PAD,
                            n_buf=2, piece=40)
  out_x0 = _tc_node_update(x_0, parts_n.reshape(2, N_PAD, D), gamma0, beta0)
  return out_x0, out_x1

# --- scband reference (transcript-rebuilt; emitter-appended) ---
"""Pipeline reference for scband-hmpnnlayer-15118284882724 (READ-ONLY COPY).

The authoritative reference and input builder live on the scoring server;
editing this copy changes nothing except your own understanding.
"""

import jax, jax.numpy as jnp
import numpy as np

N_NODES = 10000
N_EDGES = 5000
NNZ = 320000
D = 128


def setup_inputs(seed: int = 0) -> dict:
    key = jax.random.key(seed)
    ks = jax.random.split(key, 12)
    x_0 = jax.random.normal(ks[0], (N_NODES, D), dtype=jnp.float32)
    x_1 = jax.random.normal(ks[1], (N_EDGES, D), dtype=jnp.float32)
    src_nodes = jax.random.randint(ks[2], (NNZ,), 0, N_NODES, dtype=jnp.int32)
    tgt_edges = jax.random.randint(ks[3], (NNZ,), 0, N_EDGES, dtype=jnp.int32)
    incidence_indices = jnp.stack([src_nodes, tgt_edges], axis=0)
    # node-to-hyperedge messaging: nn.Linear(D, D)
    W_nm = jax.random.normal(ks[4], (D, D), dtype=jnp.float32) * 0.05
    b_nm = jnp.zeros((D,), dtype=jnp.float32)
    # hyperedge-to-node messaging: nn.Linear(2D, D)
    W_hm = jax.random.normal(ks[5], (2 * D, D), dtype=jnp.float32) * 0.05
    b_hm = jnp.zeros((D,), dtype=jnp.float32)
    # BatchNorm1d affine params (eval mode: running_mean=0, running_var=1)
    gamma0 = jnp.ones((D,), dtype=jnp.float32)
    beta0 = jnp.zeros((D,), dtype=jnp.float32)
    gamma1 = jnp.ones((D,), dtype=jnp.float32)
    beta1 = jnp.zeros((D,), dtype=jnp.float32)
    return {"x_0": x_0, "x_1": x_1, "incidence_indices": incidence_indices,
            "W_nm": W_nm, "b_nm": b_nm, "W_hm": W_hm, "b_hm": b_hm,
            "gamma0": gamma0, "beta0": beta0, "gamma1": gamma1, "beta1": beta1}


def reference(x_0, x_1, incidence_indices, W_nm, b_nm, W_hm, b_hm, gamma0, beta0, gamma1, beta1):
    # Eval mode: adjacency dropout and Bernoulli feature dropout are identity.
    n_nodes = x_0.shape[0]
    n_edges = x_1.shape[0]
    src_nodes = incidence_indices[0]
    tgt_edges = incidence_indices[1]
    # _NodeToHyperedgeMessenger: message = sigmoid(Linear(x_0)); aggregate over hyperedges
    x_msg_nodes = jax.nn.sigmoid(x_0 @ W_nm + b_nm)
    node_msg_agg = jax.ops.segment_sum(jnp.take(x_msg_nodes, src_nodes, axis=0), tgt_edges, num_segments=n_edges)
    # _HyperedgeToNodeMessenger.message: aggregate node messages per hyperedge, then
    # sigmoid(Linear(cat(x_1, agg)))
    nm_agg = jax.ops.segment_sum(jnp.take(x_msg_nodes, src_nodes, axis=0), tgt_edges, num_segments=n_edges)
    x_msg_edges = jax.nn.sigmoid(jnp.concatenate([x_1, nm_agg], axis=1) @ W_hm + b_hm)
    # aggregate hyperedge messages to nodes
    hyperedge_msg_agg = jax.ops.segment_sum(jnp.take(x_msg_edges, tgt_edges, axis=0), src_nodes, num_segments=n_nodes)
    # BatchNorm1d in eval: (x - running_mean)/sqrt(running_var + eps) * gamma + beta
    eps = 1e-5
    bn0 = x_0 / jnp.sqrt(1.0 + eps) * gamma0 + beta0
    bn1 = x_1 / jnp.sqrt(1.0 + eps) * gamma1 + beta1
    # _DefaultUpdatingFunc: sigmoid(x + m)
    out_x0 = jax.nn.sigmoid(bn0 + hyperedge_msg_agg)
    out_x1 = jax.nn.sigmoid(bn1 + node_msg_agg)
    return out_x0, out_x1

if __name__ == "__main__":
    import jax
    _d = setup_inputs()
    print(jax.jit(kernel)(*tuple(_d.values())))

</pallas_src>

<mosaic_0001>
#map = affine_map<(d0, d1) -> (0, 0)>
module attributes {stable_mosaic.version = 14 : i64} {
  func.func @sc_kernel(%arg0: i32, %arg1: i32, %arg2: memref<10000x128xf32, #tpu.memory_space<hbm>>, %arg3: memref<2560x128xi32, #tpu.memory_space<hbm>>, %arg4: memref<2560x128xi32, #tpu.memory_space<hbm>>, %arg5: memref<128x128xf32, #tpu.memory_space<hbm>>, %arg6: memref<10240x128xf32, #tpu.memory_space<hbm>>, %arg7: memref<80x128xi32, #tpu.memory_space<vmem>>, %arg8: memref<80x128xi32, #tpu.memory_space<vmem>>, %arg9: memref<4x128x128xf32, #tpu.memory_space<vmem>>, %arg10: memref<5120x128xf32, #tpu.memory_space<vmem_shared>>, %arg11: memref<!tpu.dma_semaphore, #tpu.memory_space<semaphore_mem>>, %arg12: memref<!tpu.dma_semaphore, #tpu.memory_space<semaphore_mem>>, %arg13: memref<!tpu.dma_semaphore, #tpu.memory_space<semaphore_mem>>, %arg14: memref<!tpu.dma_semaphore, #tpu.memory_space<semaphore_mem>>) attributes {dimension_semantics = [#tpu.dimension_semantics<core_parallel>, #tpu.dimension_semantics<subcore_parallel>], iteration_bounds = array<i64: 2, 16>, scalar_prefetch = 0 : i64, scratch_operands = 8 : i64, tpu.core_type = #tpu.core_type<sc_vector_subcore>, window_params = [{transform_indices = #map}, {transform_indices = #map}, {transform_indices = #map}, {transform_indices = #map}, {transform_indices = #map}]} {
    %mul3A = arith.constant 2 : i32
    %mul3A_0 = arith.muli %arg1, %mul3A : i32
    %add3A = arith.addi %mul3A_0, %arg0 : i32
    %scan3A = arith.constant 0 : i32
    %scan3A_1 = arith.constant 3 : i32
    %scan3A_2 = arith.addi %scan3A, %scan3A_1 : i32
    %scan3A_3 = arith.constant 1 : i32
    scf.for %scan3A_121 = %scan3A to %scan3A_2 step %scan3A_3  : i32 {
      %mul3A_122 = arith.constant 1 : i32
      %mul3A_123 = arith.muli %scan3A_121, %mul3A_122 : i32
      %add3A_124 = arith.constant 0 : i32
      %add3A_125 = arith.addi %add3A_124, %mul3A_123 : i32
      %mul3A_126 = arith.constant 16 : i32
      %mul3A_127 = arith.muli %add3A_125, %mul3A_126 : i32
      %add3A_128 = arith.addi %mul3A_127, %arg1 : i32
      %lt3A = arith.constant 40 : i32
      %lt3A_129 = arith.cmpi slt, %add3A_128, %lt3A : i32
      %convert_element_type3A = arith.extui %lt3A_129 : i1 to i32
      %cond3A = arith.constant 0 : i32
      %cond3A_130 = arith.cmpi ne, %convert_element_type3A, %cond3A : i32
      scf.if %cond3A_130 {
        %mul3A_131 = arith.constant 128 : i32
        %mul3A_132 = arith.muli %add3A_128, %mul3A_131 : i32
        "tpu.region"() ({
          %run_scoped3A_133 = tpu.sem_alloc : memref<!tpu.dma_semaphore, #tpu.memory_space<semaphore_mem>>
          %dma_start3A_134 = arith.constant 0 : i32
          %dma_start3A_135 = tpu.memref_slice %arg10[%mul3A_132, %dma_start3A_134] : memref<5120x128xf32, #tpu.memory_space<vmem_shared>> -> memref<128x128xf32, #tpu.memory_space<vmem_shared>>
          tpu.enqueue_dma source(%arg5 : memref<128x128xf32, #tpu.memory_space<hbm>>) target(%dma_start3A_135 : memref<128x128xf32, #tpu.memory_space<vmem_shared>>) target_semaphore(%run_scoped3A_133 : memref<!tpu.dma_semaphore, #tpu.memory_space<semaphore_mem>>)
          %dma_wait3A_136 = arith.constant 0 : i32
          %dma_wait3A_137 = tpu.memref_slice %arg10[%mul3A_132, %dma_wait3A_136] : memref<5120x128xf32, #tpu.memory_space<vmem_shared>> -> memref<128x128xf32, #tpu.memory_space<vmem_shared>>
          tpu.wait_dma2 semaphore(%run_scoped3A_133 : memref<!tpu.dma_semaphore, #tpu.memory_space<semaphore_mem>>) src(%arg5 : memref<128x128xf32, #tpu.memory_space<hbm>>) dst(%dma_wait3A_137 : memref<128x128xf32, #tpu.memory_space<vmem_shared>>)
          tpu.yield
        }) : () -> ()
      } else {
      }
    }
    %scan3A_4 = arith.constant 3 : i32
    %mul3A_5 = arith.constant 80 : i32
    %mul3A_6 = arith.muli %add3A, %mul3A_5 : i32
    %add3A_7 = arith.constant 0 : i32
    %add3A_8 = arith.addi %mul3A_6, %add3A_7 : i32
    "tpu.region"() ({
      %run_scoped3A_121 = tpu.sem_alloc : memref<!tpu.dma_semaphore, #tpu.memory_space<semaphore_mem>>
      %dma_start3A_122 = arith.constant 0 : i32
      %dma_start3A_123 = tpu.memref_slice %arg3[%add3A_8, %dma_start3A_122] : memref<2560x128xi32, #tpu.memory_space<hbm>> -> memref<80x128xi32, #tpu.memory_space<hbm>>
      %dma_start3A_124 = arith.constant 0 : i32
      %dma_start3A_125 = tpu.memref_slice %arg3[%add3A_8, %dma_start3A_124] : memref<2560x128xi32, #tpu.memory_space<hbm>> -> memref<80x128xi32, #tpu.memory_space<hbm>>
      tpu.enqueue_dma source(%dma_start3A_125 : memref<80x128xi32, #tpu.memory_space<hbm>>) target(%arg7 : memref<80x128xi32, #tpu.memory_space<vmem>>) target_semaphore(%run_scoped3A_121 : memref<!tpu.dma_semaphore, #tpu.memory_space<semaphore_mem>>)
      %dma_wait3A_126 = arith.constant 0 : i32
      %dma_wait3A_127 = tpu.memref_slice %arg3[%add3A_8, %dma_wait3A_126] : memref<2560x128xi32, #tpu.memory_space<hbm>> -> memref<80x128xi32, #tpu.memory_space<hbm>>
      %dma_wait3A_128 = arith.constant 0 : i32
      %dma_wait3A_129 = tpu.memref_slice %arg3[%add3A_8, %dma_wait3A_128] : memref<2560x128xi32, #tpu.memory_space<hbm>> -> memref<80x128xi32, #tpu.memory_space<hbm>>
      tpu.wait_dma2 semaphore(%run_scoped3A_121 : memref<!tpu.dma_semaphore, #tpu.memory_space<semaphore_mem>>) src(%dma_wait3A_129 : memref<80x128xi32, #tpu.memory_space<hbm>>) dst(%arg7 : memref<80x128xi32, #tpu.memory_space<vmem>>)
      tpu.yield
    }) : () -> ()
    "tpu.region"() ({
      %run_scoped3A_121 = tpu.sem_alloc : memref<!tpu.dma_semaphore, #tpu.memory_space<semaphore_mem>>
      %dma_start3A_122 = arith.constant 0 : i32
      %dma_start3A_123 = tpu.memref_slice %arg4[%add3A_8, %dma_start3A_122] : memref<2560x128xi32, #tpu.memory_space<hbm>> -> memref<80x128xi32, #tpu.memory_space<hbm>>
      %dma_start3A_124 = arith.constant 0 : i32
      %dma_start3A_125 = tpu.memref_slice %arg4[%add3A_8, %dma_start3A_124] : memref<2560x128xi32, #tpu.memory_space<hbm>> -> memref<80x128xi32, #tpu.memory_space<hbm>>
      tpu.enqueue_dma source(%dma_start3A_125 : memref<80x128xi32, #tpu.memory_space<hbm>>) target(%arg8 : memref<80x128xi32, #tpu.memory_space<vmem>>) target_semaphore(%run_scoped3A_121 : memref<!tpu.dma_semaphore, #tpu.memory_space<semaphore_mem>>)
      %dma_wait3A_126 = arith.constant 0 : i32
      %dma_wait3A_127 = tpu.memref_slice %arg4[%add3A_8, %dma_wait3A_126] : memref<2560x128xi32, #tpu.memory_space<hbm>> -> memref<80x128xi32, #tpu.memory_space<hbm>>
      %dma_wait3A_128 = arith.constant 0 : i32
      %dma_wait3A_129 = tpu.memref_slice %arg4[%add3A_8, %dma_wait3A_128] : memref<2560x128xi32, #tpu.memory_space<hbm>> -> memref<80x128xi32, #tpu.memory_space<hbm>>
      tpu.wait_dma2 semaphore(%run_scoped3A_121 : memref<!tpu.dma_semaphore, #tpu.memory_space<semaphore_mem>>) src(%dma_wait3A_129 : memref<80x128xi32, #tpu.memory_space<hbm>>) dst(%arg8 : memref<80x128xi32, #tpu.memory_space<vmem>>)
      tpu.yield
    }) : () -> ()
    %barrier3A = arith.constant 0 : index
    tpu.barrier barrier_id(%barrier3A)
    %dma_start3A = arith.constant 0 : i32
    %dma_start3A_9 = arith.constant 0 : i32
    %dma_start3A_10 = arith.constant 0 : i32
    %dma_start3A_11 = arith.constant 0 : i32
    %dma_start3A_12 = tpu.memref_slice %arg9[%dma_start3A_9, %dma_start3A_10, %dma_start3A_11] : memref<4x128x128xf32, #tpu.memory_space<vmem>> -> memref<1x128x128xf32, #tpu.memory_space<vmem>>
    %dma_start3A_13 = tpu.memref_squeeze %dma_start3A_12 : memref<1x128x128xf32, #tpu.memory_space<vmem>> -> memref<128x128xf32, #tpu.memory_space<vmem>>
    %dma_start3A_14 = arith.constant 0 : i32
    %dma_start3A_15 = tpu.memref_slice %arg7[%dma_start3A, %dma_start3A_14] : memref<80x128xi32, #tpu.memory_space<vmem>> -> memref<1x128xi32, #tpu.memory_space<vmem>>
    %dma_start3A_16 = tpu.memref_squeeze %dma_start3A_15 : memref<1x128xi32, #tpu.memory_space<vmem>> -> memref<128xi32, #tpu.memory_space<vmem>>
    %dma_start3A_17 = arith.constant 0 : i32
    %dma_start3A_18 = arith.constant 0 : i32
    %dma_start3A_19 = tpu.memref_slice %arg2[%dma_start3A_17, %dma_start3A_18] : memref<10000x128xf32, #tpu.memory_space<hbm>> -> memref<10000x128xf32, #tpu.memory_space<hbm>>
    tpu.enqueue_indirect_dma source(%dma_start3A_19 : memref<10000x128xf32, #tpu.memory_space<hbm>>) target(%dma_start3A_13 : memref<128x128xf32, #tpu.memory_space<vmem>>) offsets(%dma_start3A_16 : memref<128xi32, #tpu.memory_space<vmem>>) semaphore(%arg11 : memref<!tpu.dma_semaphore, #tpu.memory_space<semaphore_mem>>)
    %dma_start3A_20 = arith.constant 1 : i32
    %dma_start3A_21 = arith.constant 1 : i32
    %dma_start3A_22 = arith.constant 0 : i32
    %dma_start3A_23 = arith.constant 0 : i32
    %dma_start3A_24 = tpu.memref_slice %arg9[%dma_start3A_21, %dma_start3A_22, %dma_start3A_23] : memref<4x128x128xf32, #tpu.memory_space<vmem>> -> memref<1x128x128xf32, #tpu.memory_space<vmem>>
    %dma_start3A_25 = tpu.memref_squeeze %dma_start3A_24 : memref<1x128x128xf32, #tpu.memory_space<vmem>> -> memref<128x128xf32, #tpu.memory_space<vmem>>
    %dma_start3A_26 = arith.constant 0 : i32
    %dma_start3A_27 = tpu.memref_slice %arg7[%dma_start3A_20, %dma_start3A_26] : memref<80x128xi32, #tpu.memory_space<vmem>> -> memref<1x128xi32, #tpu.memory_space<vmem>>
    %dma_start3A_28 = tpu.memref_squeeze %dma_start3A_27 : memref<1x128xi32, #tpu.memory_space<vmem>> -> memref<128xi32, #tpu.memory_space<vmem>>
    %dma_start3A_29 = arith.constant 0 : i32
    %dma_start3A_30 = arith.constant 0 : i32
    %dma_start3A_31 = tpu.memref_slice %arg2[%dma_start3A_29, %dma_start3A_30] : memref<10000x128xf32, #tpu.memory_space<hbm>> -> memref<10000x128xf32, #tpu.memory_space<hbm>>
    tpu.enqueue_indirect_dma source(%dma_start3A_31 : memref<10000x128xf32, #tpu.memory_space<hbm>>) target(%dma_start3A_25 : memref<128x128xf32, #tpu.memory_space<vmem>>) offsets(%dma_start3A_28 : memref<128xi32, #tpu.memory_space<vmem>>) semaphore(%arg12 : memref<!tpu.dma_semaphore, #tpu.memory_space<semaphore_mem>>)
    %dma_start3A_32 = arith.constant 2 : i32
    %dma_start3A_33 = arith.constant 2 : i32
    %dma_start3A_34 = arith.constant 0 : i32
    %dma_start3A_35 = arith.constant 0 : i32
    %dma_start3A_36 = tpu.memref_slice %arg9[%dma_start3A_33, %dma_start3A_34, %dma_start3A_35] : memref<4x128x128xf32, #tpu.memory_space<vmem>> -> memref<1x128x128xf32, #tpu.memory_space<vmem>>
    %dma_start3A_37 = tpu.memref_squeeze %dma_start3A_36 : memref<1x128x128xf32, #tpu.memory_space<vmem>> -> memref<128x128xf32, #tpu.memory_space<vmem>>
    %dma_start3A_38 = arith.constant 0 : i32
    %dma_start3A_39 = tpu.memref_slice %arg7[%dma_start3A_32, %dma_start3A_38] : memref<80x128xi32, #tpu.memory_space<vmem>> -> memref<1x128xi32, #tpu.memory_space<vmem>>
    %dma_start3A_40 = tpu.memref_squeeze %dma_start3A_39 : memref<1x128xi32, #tpu.memory_space<vmem>> -> memref<128xi32, #tpu.memory_space<vmem>>
    %dma_start3A_41 = arith.constant 0 : i32
    %dma_start3A_42 = arith.constant 0 : i32
    %dma_start3A_43 = tpu.memref_slice %arg2[%dma_start3A_41, %dma_start3A_42] : memref<10000x128xf32, #tpu.memory_space<hbm>> -> memref<10000x128xf32, #tpu.memory_space<hbm>>
    tpu.enqueue_indirect_dma source(%dma_start3A_43 : memref<10000x128xf32, #tpu.memory_space<hbm>>) target(%dma_start3A_37 : memref<128x128xf32, #tpu.memory_space<vmem>>) offsets(%dma_start3A_40 : memref<128xi32, #tpu.memory_space<vmem>>) semaphore(%arg13 : memref<!tpu.dma_semaphore, #tpu.memory_space<semaphore_mem>>)
    %dma_start3A_44 = arith.constant 3 : i32
    %dma_start3A_45 = arith.constant 3 : i32
    %dma_start3A_46 = arith.constant 0 : i32
    %dma_start3A_47 = arith.constant 0 : i32
    %dma_start3A_48 = tpu.memref_slice %arg9[%dma_start3A_45, %dma_start3A_46, %dma_start3A_47] : memref<4x128x128xf32, #tpu.memory_space<vmem>> -> memref<1x128x128xf32, #tpu.memory_space<vmem>>
    %dma_start3A_49 = tpu.memref_squeeze %dma_start3A_48 : memref<1x128x128xf32, #tpu.memory_space<vmem>> -> memref<128x128xf32, #tpu.memory_space<vmem>>
    %dma_start3A_50 = arith.constant 0 : i32
    %dma_start3A_51 = tpu.memref_slice %arg7[%dma_start3A_44, %dma_start3A_50] : memref<80x128xi32, #tpu.memory_space<vmem>> -> memref<1x128xi32, #tpu.memory_space<vmem>>
    %dma_start3A_52 = tpu.memref_squeeze %dma_start3A_51 : memref<1x128xi32, #tpu.memory_space<vmem>> -> memref<128xi32, #tpu.memory_space<vmem>>
    %dma_start3A_53 = arith.constant 0 : i32
    %dma_start3A_54 = arith.constant 0 : i32
    %dma_start3A_55 = tpu.memref_slice %arg2[%dma_start3A_53, %dma_start3A_54] : memref<10000x128xf32, #tpu.memory_space<hbm>> -> memref<10000x128xf32, #tpu.memory_space<hbm>>
    tpu.enqueue_indirect_dma source(%dma_start3A_55 : memref<10000x128xf32, #tpu.memory_space<hbm>>) target(%dma_start3A_49 : memref<128x128xf32, #tpu.memory_space<vmem>>) offsets(%dma_start3A_52 : memref<128xi32, #tpu.memory_space<vmem>>) semaphore(%arg14 : memref<!tpu.dma_semaphore, #tpu.memory_space<semaphore_mem>>)
    %scan3A_56 = arith.constant 0 : i32
    %scan3A_57 = arith.constant 19 : i32
    %scan3A_58 = arith.addi %scan3A_56, %scan3A_57 : i32
    %scan3A_59 = arith.constant 1 : i32
    scf.for %scan3A_121 = %scan3A_56 to %scan3A_58 step %scan3A_59  : i32 {
      %mul3A_122 = arith.constant 1 : i32
      %mul3A_123 = arith.muli %scan3A_121, %mul3A_122 : i32
      %add3A_124 = arith.constant 0 : i32
      %add3A_125 = arith.addi %add3A_124, %mul3A_123 : i32
      %mul3A_126 = arith.constant 4 : i32
      %mul3A_127 = arith.muli %mul3A_126, %add3A_125 : i32
      %add3A_128 = arith.constant 0 : i32
      %add3A_129 = arith.addi %mul3A_127, %add3A_128 : i32
      %dma_wait3A_130 = arith.constant 0 : i32
      %dma_wait3A_131 = arith.constant 0 : i32
      %dma_wait3A_132 = arith.constant 0 : i32
      %dma_wait3A_133 = tpu.memref_slice %arg9[%dma_wait3A_130, %dma_wait3A_131, %dma_wait3A_132] : memref<4x128x128xf32, #tpu.memory_space<vmem>> -> memref<1x128x128xf32, #tpu.memory_space<vmem>>
      %dma_wait3A_134 = tpu.memref_squeeze %dma_wait3A_133 : memref<1x128x128xf32, #tpu.memory_space<vmem>> -> memref<128x128xf32, #tpu.memory_space<vmem>>
      %dma_wait3A_135 = arith.constant 0 : i32
      %dma_wait3A_136 = tpu.memref_slice %arg7[%add3A_129, %dma_wait3A_135] : memref<80x128xi32, #tpu.memory_space<vmem>> -> memref<1x128xi32, #tpu.memory_space<vmem>>
      %dma_wait3A_137 = tpu.memref_squeeze %dma_wait3A_136 : memref<1x128xi32, #tpu.memory_space<vmem>> -> memref<128xi32, #tpu.memory_space<vmem>>
      %dma_wait3A_138 = arith.constant 0 : i32
      %dma_wait3A_139 = arith.constant 0 : i32
      %dma_wait3A_140 = tpu.memref_slice %arg2[%dma_wait3A_138, %dma_wait3A_139] : memref<10000x128xf32, #tpu.memory_space<hbm>> -> memref<10000x128xf32, #tpu.memory_space<hbm>>
      tpu.wait_indirect_dma semaphore(%arg11 : memref<!tpu.dma_semaphore, #tpu.memory_space<semaphore_mem>>) src(%dma_wait3A_140 : memref<10000x128xf32, #tpu.memory_space<hbm>>) dst(%dma_wait3A_134 : memref<128x128xf32, #tpu.memory_space<vmem>>)
      %add3A_141 = arith.constant 0 : i32
      %add3A_142 = arith.addi %mul3A_127, %add3A_141 : i32
      %run_scoped3A_143 = arith.constant 0 : i32
      "tpu.region"() ({
        %run_scoped3A_252 = tpu.sem_alloc : memref<!tpu.dma_semaphore, #tpu.memory_space<semaphore_mem>>
        %dma_start3A_253 = arith.constant 0 : i32
        %dma_start3A_254 = arith.constant 0 : i32
        %dma_start3A_255 = tpu.memref_slice %arg9[%run_scoped3A_143, %dma_start3A_253, %dma_start3A_254] : memref<4x128x128xf32, #tpu.memory_space<vmem>> -> memref<1x128x128xf32, #tpu.memory_space<vmem>>
        %dma_start3A_256 = tpu.memref_squeeze %dma_start3A_255 : memref<1x128x128xf32, #tpu.memory_space<vmem>> -> memref<128x128xf32, #tpu.memory_space<vmem>>
        %dma_start3A_257 = arith.constant 0 : i32
        %dma_start3A_258 = tpu.memref_slice %arg8[%add3A_142, %dma_start3A_257] : memref<80x128xi32, #tpu.memory_space<vmem>> -> memref<1x128xi32, #tpu.memory_space<vmem>>
        %dma_start3A_259 = tpu.memref_squeeze %dma_start3A_258 : memref<1x128xi32, #tpu.memory_space<vmem>> -> memref<128xi32, #tpu.memory_space<vmem>>
        %dma_start3A_260 = arith.constant 0 : i32
        %dma_start3A_261 = arith.constant 0 : i32
        %dma_start3A_262 = tpu.memref_slice %arg10[%dma_start3A_260, %dma_start3A_261] : memref<5120x128xf32, #tpu.memory_space<vmem_shared>> -> memref<5120x128xf32, #tpu.memory_space<vmem_shared>>
        tpu.enqueue_indirect_dma source(%dma_start3A_256 : memref<128x128xf32, #tpu.memory_space<vmem>>) target(%dma_start3A_262 : memref<5120x128xf32, #tpu.memory_space<vmem_shared>>) offsets(%dma_start3A_259 : memref<128xi32, #tpu.memory_space<vmem>>) semaphore(%run_scoped3A_252 : memref<!tpu.dma_semaphore, #tpu.memory_space<semaphore_mem>>) {add = true}
        %dma_wait3A_263 = arith.constant 0 : i32
        %dma_wait3A_264 = arith.constant 0 : i32
        %dma_wait3A_265 = tpu.memref_slice %arg9[%run_scoped3A_143, %dma_wait3A_263, %dma_wait3A_264] : memref<4x128x128xf32, #tpu.memory_space<vmem>> -> memref<1x128x128xf32, #tpu.memory_space<vmem>>
        %dma_wait3A_266 = tpu.memref_squeeze %dma_wait3A_265 : memref<1x128x128xf32, #tpu.memory_space<vmem>> -> memref<128x128xf32, #tpu.memory_space<vmem>>
        %dma_wait3A_267 = arith.constant 0 : i32
        %dma_wait3A_268 = tpu.memref_slice %arg8[%add3A_142, %dma_wait3A_267] : memref<80x128xi32, #tpu.memory_space<vmem>> -> memref<1x128xi32, #tpu.memory_space<vmem>>
        %dma_wait3A_269 = tpu.memref_squeeze %dma_wait3A_268 : memref<1x128xi32, #tpu.memory_space<vmem>> -> memref<128xi32, #tpu.memory_space<vmem>>
        %dma_wait3A_270 = arith.constant 0 : i32
        %dma_wait3A_271 = arith.constant 0 : i32
        %dma_wait3A_272 = tpu.memref_slice %arg10[%dma_wait3A_270, %dma_wait3A_271] : memref<5120x128xf32, #tpu.memory_space<vmem_shared>> -> memref<5120x128xf32, #tpu.memory_space<vmem_shared>>
        tpu.wait_indirect_dma semaphore(%run_scoped3A_252 : memref<!tpu.dma_semaphore, #tpu.memory_space<semaphore_mem>>) src(%dma_wait3A_266 : memref<128x128xf32, #tpu.memory_space<vmem>>) dst(%dma_wait3A_272 : memref<5120x128xf32, #tpu.memory_space<vmem_shared>>)
        tpu.yield
      }) : () -> ()
      %add3A_144 = arith.constant 4 : i32
      %add3A_145 = arith.addi %mul3A_127, %add3A_144 : i32
      %add3A_146 = arith.constant 0 : i32
      %add3A_147 = arith.addi %add3A_145, %add3A_146 : i32
      %dma_start3A_148 = arith.constant 0 : i32
      %dma_start3A_149 = arith.constant 0 : i32
      %dma_start3A_150 = arith.constant 0 : i32
      %dma_start3A_151 = tpu.memref_slice %arg9[%dma_start3A_148, %dma_start3A_149, %dma_start3A_150] : memref<4x128x128xf32, #tpu.memory_space<vmem>> -> memref<1x128x128xf32, #tpu.memory_space<vmem>>
      %dma_start3A_152 = tpu.memref_squeeze %dma_start3A_151 : memref<1x128x128xf32, #tpu.memory_space<vmem>> -> memref<128x128xf32, #tpu.memory_space<vmem>>
      %dma_start3A_153 = arith.constant 0 : i32
      %dma_start3A_154 = tpu.memref_slice %arg7[%add3A_147, %dma_start3A_153] : memref<80x128xi32, #tpu.memory_space<vmem>> -> memref<1x128xi32, #tpu.memory_space<vmem>>
      %dma_start3A_155 = tpu.memref_squeeze %dma_start3A_154 : memref<1x128xi32, #tpu.memory_space<vmem>> -> memref<128xi32, #tpu.memory_space<vmem>>
      %dma_start3A_156 = arith.constant 0 : i32
      %dma_start3A_157 = arith.constant 0 : i32
      %dma_start3A_158 = tpu.memref_slice %arg2[%dma_start3A_156, %dma_start3A_157] : memref<10000x128xf32, #tpu.memory_space<hbm>> -> memref<10000x128xf32, #tpu.memory_space<hbm>>
      tpu.enqueue_indirect_dma source(%dma_start3A_158 : memref<10000x128xf32, #tpu.memory_space<hbm>>) target(%dma_start3A_152 : memref<128x128xf32, #tpu.memory_space<vmem>>) offsets(%dma_start3A_155 : memref<128xi32, #tpu.memory_space<vmem>>) semaphore(%arg11 : memref<!tpu.dma_semaphore, #tpu.memory_space<semaphore_mem>>)
      %add3A_159 = arith.constant 1 : i32
      %add3A_160 = arith.addi %mul3A_127, %add3A_159 : i32
      %dma_wait3A_161 = arith.constant 1 : i32
      %dma_wait3A_162 = arith.constant 0 : i32
      %dma_wait3A_163 = arith.constant 0 : i32
      %dma_wait3A_164 = tpu.memref_slice %arg9[%dma_wait3A_161, %dma_wait3A_162, %dma_wait3A_163] : memref<4x128x128xf32, #tpu.memory_space<vmem>> -> memref<1x128x128xf32, #tpu.memory_space<vmem>>
      %dma_wait3A_165 = tpu.memref_squeeze %dma_wait3A_164 : memref<1x128x128xf32, #tpu.memory_space<vmem>> -> memref<128x128xf32, #tpu.memory_space<vmem>>
      %dma_wait3A_166 = arith.constant 0 : i32
      %dma_wait3A_167 = tpu.memref_slice %arg7[%add3A_160, %dma_wait3A_166] : memref<80x128xi32, #tpu.memory_space<vmem>> -> memref<1x128xi32, #tpu.memory_space<vmem>>
      %dma_wait3A_168 = tpu.memref_squeeze %dma_wait3A_167 : memref<1x128xi32, #tpu.memory_space<vmem>> -> memref<128xi32, #tpu.memory_space<vmem>>
      %dma_wait3A_169 = arith.constant 0 : i32
      %dma_wait3A_170 = arith.constant 0 : i32
      %dma_wait3A_171 = tpu.memref_slice %arg2[%dma_wait3A_169, %dma_wait3A_170] : memref<10000x128xf32, #tpu.memory_space<hbm>> -> memref<10000x128xf32, #tpu.memory_space<hbm>>
      tpu.wait_indirect_dma semaphore(%arg12 : memref<!tpu.dma_semaphore, #tpu.memory_space<semaphore_mem>>) src(%dma_wait3A_171 : memref<10000x128xf32, #tpu.memory_space<hbm>>) dst(%dma_wait3A_165 : memref<128x128xf32, #tpu.memory_space<vmem>>)
      %add3A_172 = arith.constant 1 : i32
      %add3A_173 = arith.addi %mul3A_127, %add3A_172 : i32
      %run_scoped3A_174 = arith.constant 1 : i32
      "tpu.region"() ({
        %run_scoped3A_252 = tpu.sem_alloc : memref<!tpu.dma_semaphore, #tpu.memory_space<semaphore_mem>>
        %dma_start3A_253 = arith.constant 0 : i32
        %dma_start3A_254 = arith.constant 0 : i32
        %dma_start3A_255 = tpu.memref_slice %arg9[%run_scoped3A_174, %dma_start3A_253, %dma_start3A_254] : memref<4x128x128xf32, #tpu.memory_space<vmem>> -> memref<1x128x128xf32, #tpu.memory_space<vmem>>
        %dma_start3A_256 = tpu.memref_squeeze %dma_start3A_255 : memref<1x128x128xf32, #tpu.memory_space<vmem>> -> memref<128x128xf32, #tpu.memory_space<vmem>>
        %dma_start3A_257 = arith.constant 0 : i32
        %dma_start3A_258 = tpu.memref_slice %arg8[%add3A_173, %dma_start3A_257] : memref<80x128xi32, #tpu.memory_space<vmem>> -> memref<1x128xi32, #tpu.memory_space<vmem>>
        %dma_start3A_259 = tpu.memref_squeeze %dma_start3A_258 : memref<1x128xi32, #tpu.memory_space<vmem>> -> memref<128xi32, #tpu.memory_space<vmem>>
        %dma_start3A_260 = arith.constant 0 : i32
        %dma_start3A_261 = arith.constant 0 : i32
        %dma_start3A_262 = tpu.memref_slice %arg10[%dma_start3A_260, %dma_start3A_261] : memref<5120x128xf32, #tpu.memory_space<vmem_shared>> -> memref<5120x128xf32, #tpu.memory_space<vmem_shared>>
        tpu.enqueue_indirect_dma source(%dma_start3A_256 : memref<128x128xf32, #tpu.memory_space<vmem>>) target(%dma_start3A_262 : memref<5120x128xf32, #tpu.memory_space<vmem_shared>>) offsets(%dma_start3A_259 : memref<128xi32, #tpu.memory_space<vmem>>) semaphore(%run_scoped3A_252 : memref<!tpu.dma_semaphore, #tpu.memory_space<semaphore_mem>>) {add = true}
        %dma_wait3A_263 = arith.constant 0 : i32
        %dma_wait3A_264 = arith.constant 0 : i32
        %dma_wait3A_265 = tpu.memref_slice %arg9[%run_scoped3A_174, %dma_wait3A_263, %dma_wait3A_264] : memref<4x128x128xf32, #tpu.memory_space<vmem>> -> memref<1x128x128xf32, #tpu.memory_space<vmem>>
        %dma_wait3A_266 = tpu.memref_squeeze %dma_wait3A_265 : memref<1x128x128xf32, #tpu.memory_space<vmem>> -> memref<128x128xf32, #tpu.memory_space<vmem>>
        %dma_wait3A_267 = arith.constant 0 : i32
        %dma_wait3A_268 = tpu.memref_slice %arg8[%add3A_173, %dma_wait3A_267] : memref<80x128xi32, #tpu.memory_space<vmem>> -> memref<1x128xi32, #tpu.memory_space<vmem>>
        %dma_wait3A_269 = tpu.memref_squeeze %dma_wait3A_268 : memref<1x128xi32, #tpu.memory_space<vmem>> -> memref<128xi32, #tpu.memory_space<vmem>>
        %dma_wait3A_270 = arith.constant 0 : i32
        %dma_wait3A_271 = arith.constant 0 : i32
        %dma_wait3A_272 = tpu.memref_slice %arg10[%dma_wait3A_270, %dma_wait3A_271] : memref<5120x128xf32, #tpu.memory_space<vmem_shared>> -> memref<5120x128xf32, #tpu.memory_space<vmem_shared>>
        tpu.wait_indirect_dma semaphore(%run_scoped3A_252 : memref<!tpu.dma_semaphore, #tpu.memory_space<semaphore_mem>>) src(%dma_wait3A_266 : memref<128x128xf32, #tpu.memory_space<vmem>>) dst(%dma_wait3A_272 : memref<5120x128xf32, #tpu.memory_space<vmem_shared>>)
        tpu.yield
      }) : () -> ()
      %add3A_175 = arith.constant 4 : i32
      %add3A_176 = arith.addi %mul3A_127, %add3A_175 : i32
      %add3A_177 = arith.constant 1 : i32
      %add3A_178 = arith.addi %add3A_176, %add3A_177 : i32
      %dma_start3A_179 = arith.constant 1 : i32
      %dma_start3A_180 = arith.constant 0 : i32
      %dma_start3A_181 = arith.constant 0 : i32
      %dma_start3A_182 = tpu.memref_slice %arg9[%dma_start3A_179, %dma_start3A_180, %dma_start3A_181] : memref<4x128x128xf32, #tpu.memory_space<vmem>> -> memref<1x128x128xf32, #tpu.memory_space<vmem>>
      %dma_start3A_183 = tpu.memref_squeeze %dma_start3A_182 : memref<1x128x128xf32, #tpu.memory_space<vmem>> -> memref<128x128xf32, #tpu.memory_space<vmem>>
      %dma_start3A_184 = arith.constant 0 : i32
      %dma_start3A_185 = tpu.memref_slice %arg7[%add3A_178, %dma_start3A_184] : memref<80x128xi32, #tpu.memory_space<vmem>> -> memref<1x128xi32, #tpu.memory_space<vmem>>
      %dma_start3A_186 = tpu.memref_squeeze %dma_start3A_185 : memref<1x128xi32, #tpu.memory_space<vmem>> -> memref<128xi32, #tpu.memory_space<vmem>>
      %dma_start3A_187 = arith.constant 0 : i32
      %dma_start3A_188 = arith.constant 0 : i32
      %dma_start3A_189 = tpu.memref_slice %arg2[%dma_start3A_187, %dma_start3A_188] : memref<10000x128xf32, #tpu.memory_space<hbm>> -> memref<10000x128xf32, #tpu.memory_space<hbm>>
      tpu.enqueue_indirect_dma source(%dma_start3A_189 : memref<10000x128xf32, #tpu.memory_space<hbm>>) target(%dma_start3A_183 : memref<128x128xf32, #tpu.memory_space<vmem>>) offsets(%dma_start3A_186 : memref<128xi32, #tpu.memory_space<vmem>>) semaphore(%arg12 : memref<!tpu.dma_semaphore, #tpu.memory_space<semaphore_mem>>)
      %add3A_190 = arith.constant 2 : i32
      %add3A_191 = arith.addi %mul3A_127, %add3A_190 : i32
      %dma_wait3A_192 = arith.constant 2 : i32
      %dma_wait3A_193 = arith.constant 0 : i32
      %dma_wait3A_194 = arith.constant 0 : i32
      %dma_wait3A_195 = tpu.memref_slice %arg9[%dma_wait3A_192, %dma_wait3A_193, %dma_wait3A_194] : memref<4x128x128xf32, #tpu.memory_space<vmem>> -> memref<1x128x128xf32, #tpu.memory_space<vmem>>
      %dma_wait3A_196 = tpu.memref_squeeze %dma_wait3A_195 : memref<1x128x128xf32, #tpu.memory_space<vmem>> -> memref<128x128xf32, #tpu.memory_space<vmem>>
      %dma_wait3A_197 = arith.constant 0 : i32
      %dma_wait3A_198 = tpu.memref_slice %arg7[%add3A_191, %dma_wait3A_197] : memref<80x128xi32, #tpu.memory_space<vmem>> -> memref<1x128xi32, #tpu.memory_space<vmem>>
      %dma_wait3A_199 = tpu.memref_squeeze %dma_wait3A_198 : memref<1x128xi32, #tpu.memory_space<vmem>> -> memref<128xi32, #tpu.memory_space<vmem>>
      %dma_wait3A_200 = arith.constant 0 : i32
      %dma_wait3A_201 = arith.constant 0 : i32
      %dma_wait3A_202 = tpu.memref_slice %arg2[%dma_wait3A_200, %dma_wait3A_201] : memref<10000x128xf32, #tpu.memory_space<hbm>> -> memref<10000x128xf32, #tpu.memory_space<hbm>>
      tpu.wait_indirect_dma semaphore(%arg13 : memref<!tpu.dma_semaphore, #tpu.memory_space<semaphore_mem>>) src(%dma_wait3A_202 : memref<10000x128xf32, #tpu.memory_space<hbm>>) dst(%dma_wait3A_196 : memref<128x128xf32, #tpu.memory_space<vmem>>)
      %add3A_203 = arith.constant 2 : i32
      %add3A_204 = arith.addi %mul3A_127, %add3A_203 : i32
      %run_scoped3A_205 = arith.constant 2 : i32
      "tpu.region"() ({
        %run_scoped3A_252 = tpu.sem_alloc : memref<!tpu.dma_semaphore, #tpu.memory_space<semaphore_mem>>
        %dma_start3A_253 = arith.constant 0 : i32
        %dma_start3A_254 = arith.constant 0 : i32
        %dma_start3A_255 = tpu.memref_slice %arg9[%run_scoped3A_205, %dma_start3A_253, %dma_start3A_254] : memref<4x128x128xf32, #tpu.memory_space<vmem>> -> memref<1x128x128xf32, #tpu.memory_space<vmem>>
        %dma_start3A_256 = tpu.memref_squeeze %dma_start3A_255 : memref<1x128x128xf32, #tpu.memory_space<vmem>> -> memref<128x128xf32, #tpu.memory_space<vmem>>
        %dma_start3A_257 = arith.constant 0 : i32
        %dma_start3A_258 = tpu.memref_slice %arg8[%add3A_204, %dma_start3A_257] : memref<80x128xi32, #tpu.memory_space<vmem>> -> memref<1x128xi32, #tpu.memory_space<vmem>>
        %dma_start3A_259 = tpu.memref_squeeze %dma_start3A_258 : memref<1x128xi32, #tpu.memory_space<vmem>> -> memref<128xi32, #tpu.memory_space<vmem>>
        %dma_start3A_260 = arith.constant 0 : i32
        %dma_start3A_261 = arith.constant 0 : i32
        %dma_start3A_262 = tpu.memref_slice %arg10[%dma_start3A_260, %dma_start3A_261] : memref<5120x128xf32, #tpu.memory_space<vmem_shared>> -> memref<5120x128xf32, #tpu.memory_space<vmem_shared>>
        tpu.enqueue_indirect_dma source(%dma_start3A_256 : memref<128x128xf32, #tpu.memory_space<vmem>>) target(%dma_start3A_262 : memref<5120x128xf32, #tpu.memory_space<vmem_shared>>) offsets(%dma_start3A_259 : memref<128xi32, #tpu.memory_space<vmem>>) semaphore(%run_scoped3A_252 : memref<!tpu.dma_semaphore, #tpu.memory_space<semaphore_mem>>) {add = true}
        %dma_wait3A_263 = arith.constant 0 : i32
        %dma_wait3A_264 = arith.constant 0 : i32
        %dma_wait3A_265 = tpu.memref_slice %arg9[%run_scoped3A_205, %dma_wait3A_263, %dma_wait3A_264] : memref<4x128x128xf32, #tpu.memory_space<vmem>> -> memref<1x128x128xf32, #tpu.memory_space<vmem>>
        %dma_wait3A_266 = tpu.memref_squeeze %dma_wait3A_265 : memref<1x128x128xf32, #tpu.memory_space<vmem>> -> memref<128x128xf32, #tpu.memory_space<vmem>>
        %dma_wait3A_267 = arith.constant 0 : i32
        %dma_wait3A_268 = tpu.memref_slice %arg8[%add3A_204, %dma_wait3A_267] : memref<80x128xi32, #tpu.memory_space<vmem>> -> memref<1x128xi32, #tpu.memory_space<vmem>>
        %dma_wait3A_269 = tpu.memref_squeeze %dma_wait3A_268 : memref<1x128xi32, #tpu.memory_space<vmem>> -> memref<128xi32, #tpu.memory_space<vmem>>
        %dma_wait3A_270 = arith.constant 0 : i32
        %dma_wait3A_271 = arith.constant 0 : i32
        %dma_wait3A_272 = tpu.memref_slice %arg10[%dma_wait3A_270, %dma_wait3A_271] : memref<5120x128xf32, #tpu.memory_space<vmem_shared>> -> memref<5120x128xf32, #tpu.memory_space<vmem_shared>>
        tpu.wait_indirect_dma semaphore(%run_scoped3A_252 : memref<!tpu.dma_semaphore, #tpu.memory_space<semaphore_mem>>) src(%dma_wait3A_266 : memref<128x128xf32, #tpu.memory_space<vmem>>) dst(%dma_wait3A_272 : memref<5120x128xf32, #tpu.memory_space<vmem_shared>>)
        tpu.yield
      }) : () -> ()
      %add3A_206 = arith.constant 4 : i32
      %add3A_207 = arith.addi %mul3A_127, %add3A_206 : i32
      %add3A_208 = arith.constant 2 : i32
      %add3A_209 = arith.addi %add3A_207, %add3A_208 : i32
      %dma_start3A_210 = arith.constant 2 : i32
      %dma_start3A_211 = arith.constant 0 : i32
      %dma_start3A_212 = arith.constant 0 : i32
      %dma_start3A_213 = tpu.memref_slice %arg9[%dma_start3A_210, %dma_start3A_211, %dma_start3A_212] : memref<4x128x128xf32, #tpu.memory_space<vmem>> -> memref<1x128x128xf32, #tpu.memory_space<vmem>>
      %dma_start3A_214 = tpu.memref_squeeze %dma_start3A_213 : memref<1x128x128xf32, #tpu.memory_space<vmem>> -> memref<128x128xf32, #tpu.memory_space<vmem>>
      %dma_start3A_215 = arith.constant 0 : i32
      %dma_start3A_216 = tpu.memref_slice %arg7[%add3A_209, %dma_start3A_215] : memref<80x128xi32, #tpu.memory_space<vmem>> -> memref<1x128xi32, #tpu.memory_space<vmem>>
      %dma_start3A_217 = tpu.memref_squeeze %dma_start3A_216 : memref<1x128xi32, #tpu.memory_space<vmem>> -> memref<128xi32, #tpu.memory_space<vmem>>
      %dma_start3A_218 = arith.constant 0 : i32
      %dma_start3A_219 = arith.constant 0 : i32
      %dma_start3A_220 = tpu.memref_slice %arg2[%dma_start3A_218, %dma_start3A_219] : memref<10000x128xf32, #tpu.memory_space<hbm>> -> memref<10000x128xf32, #tpu.memory_space<hbm>>
      tpu.enqueue_indirect_dma source(%dma_start3A_220 : memref<10000x128xf32, #tpu.memory_space<hbm>>) target(%dma_start3A_214 : memref<128x128xf32, #tpu.memory_space<vmem>>) offsets(%dma_start3A_217 : memref<128xi32, #tpu.memory_space<vmem>>) semaphore(%arg13 : memref<!tpu.dma_semaphore, #tpu.memory_space<semaphore_mem>>)
      %add3A_221 = arith.constant 3 : i32
      %add3A_222 = arith.addi %mul3A_127, %add3A_221 : i32
      %dma_wait3A_223 = arith.constant 3 : i32
      %dma_wait3A_224 = arith.constant 0 : i32
      %dma_wait3A_225 = arith.constant 0 : i32
      %dma_wait3A_226 = tpu.memref_slice %arg9[%dma_wait3A_223, %dma_wait3A_224, %dma_wait3A_225] : memref<4x128x128xf32, #tpu.memory_space<vmem>> -> memref<1x128x128xf32, #tpu.memory_space<vmem>>
      %dma_wait3A_227 = tpu.memref_squeeze %dma_wait3A_226 : memref<1x128x128xf32, #tpu.memory_space<vmem>> -> memref<128x128xf32, #tpu.memory_space<vmem>>
      %dma_wait3A_228 = arith.constant 0 : i32
      %dma_wait3A_229 = tpu.memref_slice %arg7[%add3A_222, %dma_wait3A_228] : memref<80x128xi32, #tpu.memory_space<vmem>> -> memref<1x128xi32, #tpu.memory_space<vmem>>
      %dma_wait3A_230 = tpu.memref_squeeze %dma_wait3A_229 : memref<1x128xi32, #tpu.memory_space<vmem>> -> memref<128xi32, #tpu.memory_space<vmem>>
      %dma_wait3A_231 = arith.constant 0 : i32
      %dma_wait3A_232 = arith.constant 0 : i32
      %dma_wait3A_233 = tpu.memref_slice %arg2[%dma_wait3A_231, %dma_wait3A_232] : memref<10000x128xf32, #tpu.memory_space<hbm>> -> memref<10000x128xf32, #tpu.memory_space<hbm>>
      tpu.wait_indirect_dma semaphore(%arg14 : memref<!tpu.dma_semaphore, #tpu.memory_space<semaphore_mem>>) src(%dma_wait3A_233 : memref<10000x128xf32, #tpu.memory_space<hbm>>) dst(%dma_wait3A_227 : memref<128x128xf32, #tpu.memory_space<vmem>>)
      %add3A_234 = arith.constant 3 : i32
      %add3A_235 = arith.addi %mul3A_127, %add3A_234 : i32
      %run_scoped3A_236 = arith.constant 3 : i32
      "tpu.region"() ({
        %run_scoped3A_252 = tpu.sem_alloc : memref<!tpu.dma_semaphore, #tpu.memory_space<semaphore_mem>>
        %dma_start3A_253 = arith.constant 0 : i32
        %dma_start3A_254 = arith.constant 0 : i32
        %dma_start3A_255 = tpu.memref_slice %arg9[%run_scoped3A_236, %dma_start3A_253, %dma_start3A_254] : memref<4x128x128xf32, #tpu.memory_space<vmem>> -> memref<1x128x128xf32, #tpu.memory_space<vmem>>
        %dma_start3A_256 = tpu.memref_squeeze %dma_start3A_255 : memref<1x128x128xf32, #tpu.memory_space<vmem>> -> memref<128x128xf32, #tpu.memory_space<vmem>>
        %dma_start3A_257 = arith.constant 0 : i32
        %dma_start3A_258 = tpu.memref_slice %arg8[%add3A_235, %dma_start3A_257] : memref<80x128xi32, #tpu.memory_space<vmem>> -> memref<1x128xi32, #tpu.memory_space<vmem>>
        %dma_start3A_259 = tpu.memref_squeeze %dma_start3A_258 : memref<1x128xi32, #tpu.memory_space<vmem>> -> memref<128xi32, #tpu.memory_space<vmem>>
        %dma_start3A_260 = arith.constant 0 : i32
        %dma_start3A_261 = arith.constant 0 : i32
        %dma_start3A_262 = tpu.memref_slice %arg10[%dma_start3A_260, %dma_start3A_261] : memref<5120x128xf32, #tpu.memory_space<vmem_shared>> -> memref<5120x128xf32, #tpu.memory_space<vmem_shared>>
        tpu.enqueue_indirect_dma source(%dma_start3A_256 : memref<128x128xf32, #tpu.memory_space<vmem>>) target(%dma_start3A_262 : memref<5120x128xf32, #tpu.memory_space<vmem_shared>>) offsets(%dma_start3A_259 : memref<128xi32, #tpu.memory_space<vmem>>) semaphore(%run_scoped3A_252 : memref<!tpu.dma_semaphore, #tpu.memory_space<semaphore_mem>>) {add = true}
        %dma_wait3A_263 = arith.constant 0 : i32
        %dma_wait3A_264 = arith.constant 0 : i32
        %dma_wait3A_265 = tpu.memref_slice %arg9[%run_scoped3A_236, %dma_wait3A_263, %dma_wait3A_264] : memref<4x128x128xf32, #tpu.memory_space<vmem>> -> memref<1x128x128xf32, #tpu.memory_space<vmem>>
        %dma_wait3A_266 = tpu.memref_squeeze %dma_wait3A_265 : memref<1x128x128xf32, #tpu.memory_space<vmem>> -> memref<128x128xf32, #tpu.memory_space<vmem>>
        %dma_wait3A_267 = arith.constant 0 : i32
        %dma_wait3A_268 = tpu.memref_slice %arg8[%add3A_235, %dma_wait3A_267] : memref<80x128xi32, #tpu.memory_space<vmem>> -> memref<1x128xi32, #tpu.memory_space<vmem>>
        %dma_wait3A_269 = tpu.memref_squeeze %dma_wait3A_268 : memref<1x128xi32, #tpu.memory_space<vmem>> -> memref<128xi32, #tpu.memory_space<vmem>>
        %dma_wait3A_270 = arith.constant 0 : i32
        %dma_wait3A_271 = arith.constant 0 : i32
        %dma_wait3A_272 = tpu.memref_slice %arg10[%dma_wait3A_270, %dma_wait3A_271] : memref<5120x128xf32, #tpu.memory_space<vmem_shared>> -> memref<5120x128xf32, #tpu.memory_space<vmem_shared>>
        tpu.wait_indirect_dma semaphore(%run_scoped3A_252 : memref<!tpu.dma_semaphore, #tpu.memory_space<semaphore_mem>>) src(%dma_wait3A_266 : memref<128x128xf32, #tpu.memory_space<vmem>>) dst(%dma_wait3A_272 : memref<5120x128xf32, #tpu.memory_space<vmem_shared>>)
        tpu.yield
      }) : () -> ()
      %add3A_237 = arith.constant 4 : i32
      %add3A_238 = arith.addi %mul3A_127, %add3A_237 : i32
      %add3A_239 = arith.constant 3 : i32
      %add3A_240 = arith.addi %add3A_238, %add3A_239 : i32
      %dma_start3A_241 = arith.constant 3 : i32
      %dma_start3A_242 = arith.constant 0 : i32
      %dma_start3A_243 = arith.constant 0 : i32
      %dma_start3A_244 = tpu.memref_slice %arg9[%dma_start3A_241, %dma_start3A_242, %dma_start3A_243] : memref<4x128x128xf32, #tpu.memory_space<vmem>> -> memref<1x128x128xf32, #tpu.memory_space<vmem>>
      %dma_start3A_245 = tpu.memref_squeeze %dma_start3A_244 : memref<1x128x128xf32, #tpu.memory_space<vmem>> -> memref<128x128xf32, #tpu.memory_space<vmem>>
      %dma_start3A_246 = arith.constant 0 : i32
      %dma_start3A_247 = tpu.memref_slice %arg7[%add3A_240, %dma_start3A_246] : memref<80x128xi32, #tpu.memory_space<vmem>> -> memref<1x128xi32, #tpu.memory_space<vmem>>
      %dma_start3A_248 = tpu.memref_squeeze %dma_start3A_247 : memref<1x128xi32, #tpu.memory_space<vmem>> -> memref<128xi32, #tpu.memory_space<vmem>>
      %dma_start3A_249 = arith.constant 0 : i32
      %dma_start3A_250 = arith.constant 0 : i32
      %dma_start3A_251 = tpu.memref_slice %arg2[%dma_start3A_249, %dma_start3A_250] : memref<10000x128xf32, #tpu.memory_space<hbm>> -> memref<10000x128xf32, #tpu.memory_space<hbm>>
      tpu.enqueue_indirect_dma source(%dma_start3A_251 : memref<10000x128xf32, #tpu.memory_space<hbm>>) target(%dma_start3A_245 : memref<128x128xf32, #tpu.memory_space<vmem>>) offsets(%dma_start3A_248 : memref<128xi32, #tpu.memory_space<vmem>>) semaphore(%arg14 : memref<!tpu.dma_semaphore, #tpu.memory_space<semaphore_mem>>)
    }
    %scan3A_60 = arith.constant 19 : i32
    %dma_wait3A = arith.constant 76 : i32
    %dma_wait3A_61 = arith.constant 0 : i32
    %dma_wait3A_62 = arith.constant 0 : i32
    %dma_wait3A_63 = arith.constant 0 : i32
    %dma_wait3A_64 = tpu.memref_slice %arg9[%dma_wait3A_61, %dma_wait3A_62, %dma_wait3A_63] : memref<4x128x128xf32, #tpu.memory_space<vmem>> -> memref<1x128x128xf32, #tpu.memory_space<vmem>>
    %dma_wait3A_65 = tpu.memref_squeeze %dma_wait3A_64 : memref<1x128x128xf32, #tpu.memory_space<vmem>> -> memref<128x128xf32, #tpu.memory_space<vmem>>
    %dma_wait3A_66 = arith.constant 0 : i32
    %dma_wait3A_67 = tpu.memref_slice %arg7[%dma_wait3A, %dma_wait3A_66] : memref<80x128xi32, #tpu.memory_space<vmem>> -> memref<1x128xi32, #tpu.memory_space<vmem>>
    %dma_wait3A_68 = tpu.memref_squeeze %dma_wait3A_67 : memref<1x128xi32, #tpu.memory_space<vmem>> -> memref<128xi32, #tpu.memory_space<vmem>>
    %dma_wait3A_69 = arith.constant 0 : i32
    %dma_wait3A_70 = arith.constant 0 : i32
    %dma_wait3A_71 = tpu.memref_slice %arg2[%dma_wait3A_69, %dma_wait3A_70] : memref<10000x128xf32, #tpu.memory_space<hbm>> -> memref<10000x128xf32, #tpu.memory_space<hbm>>
    tpu.wait_indirect_dma semaphore(%arg11 : memref<!tpu.dma_semaphore, #tpu.memory_space<semaphore_mem>>) src(%dma_wait3A_71 : memref<10000x128xf32, #tpu.memory_space<hbm>>) dst(%dma_wait3A_65 : memref<128x128xf32, #tpu.memory_space<vmem>>)
    %run_scoped3A = arith.constant 0 : i32
    %run_scoped3A_72 = arith.constant 76 : i32
    "tpu.region"() ({
      %run_scoped3A_121 = tpu.sem_alloc : memref<!tpu.dma_semaphore, #tpu.memory_space<semaphore_mem>>
      %dma_start3A_122 = arith.constant 0 : i32
      %dma_start3A_123 = arith.constant 0 : i32
      %dma_start3A_124 = tpu.memref_slice %arg9[%run_scoped3A, %dma_start3A_122, %dma_start3A_123] : memref<4x128x128xf32, #tpu.memory_space<vmem>> -> memref<1x128x128xf32, #tpu.memory_space<vmem>>
      %dma_start3A_125 = tpu.memref_squeeze %dma_start3A_124 : memref<1x128x128xf32, #tpu.memory_space<vmem>> -> memref<128x128xf32, #tpu.memory_space<vmem>>
      %dma_start3A_126 = arith.constant 0 : i32
      %dma_start3A_127 = tpu.memref_slice %arg8[%run_scoped3A_72, %dma_start3A_126] : memref<80x128xi32, #tpu.memory_space<vmem>> -> memref<1x128xi32, #tpu.memory_space<vmem>>
      %dma_start3A_128 = tpu.memref_squeeze %dma_start3A_127 : memref<1x128xi32, #tpu.memory_space<vmem>> -> memref<128xi32, #tpu.memory_space<vmem>>
      %dma_start3A_129 = arith.constant 0 : i32
      %dma_start3A_130 = arith.constant 0 : i32
      %dma_start3A_131 = tpu.memref_slice %arg10[%dma_start3A_129, %dma_start3A_130] : memref<5120x128xf32, #tpu.memory_space<vmem_shared>> -> memref<5120x128xf32, #tpu.memory_space<vmem_shared>>
      tpu.enqueue_indirect_dma source(%dma_start3A_125 : memref<128x128xf32, #tpu.memory_space<vmem>>) target(%dma_start3A_131 : memref<5120x128xf32, #tpu.memory_space<vmem_shared>>) offsets(%dma_start3A_128 : memref<128xi32, #tpu.memory_space<vmem>>) semaphore(%run_scoped3A_121 : memref<!tpu.dma_semaphore, #tpu.memory_space<semaphore_mem>>) {add = true}
      %dma_wait3A_132 = arith.constant 0 : i32
      %dma_wait3A_133 = arith.constant 0 : i32
      %dma_wait3A_134 = tpu.memref_slice %arg9[%run_scoped3A, %dma_wait3A_132, %dma_wait3A_133] : memref<4x128x128xf32, #tpu.memory_space<vmem>> -> memref<1x128x128xf32, #tpu.memory_space<vmem>>
      %dma_wait3A_135 = tpu.memref_squeeze %dma_wait3A_134 : memref<1x128x128xf32, #tpu.memory_space<vmem>> -> memref<128x128xf32, #tpu.memory_space<vmem>>
      %dma_wait3A_136 = arith.constant 0 : i32
      %dma_wait3A_137 = tpu.memref_slice %arg8[%run_scoped3A_72, %dma_wait3A_136] : memref<80x128xi32, #tpu.memory_space<vmem>> -> memref<1x128xi32, #tpu.memory_space<vmem>>
      %dma_wait3A_138 = tpu.memref_squeeze %dma_wait3A_137 : memref<1x128xi32, #tpu.memory_space<vmem>> -> memref<128xi32, #tpu.memory_space<vmem>>
      %dma_wait3A_139 = arith.constant 0 : i32
      %dma_wait3A_140 = arith.constant 0 : i32
      %dma_wait3A_141 = tpu.memref_slice %arg10[%dma_wait3A_139, %dma_wait3A_140] : memref<5120x128xf32, #tpu.memory_space<vmem_shared>> -> memref<5120x128xf32, #tpu.memory_space<vmem_shared>>
      tpu.wait_indirect_dma semaphore(%run_scoped3A_121 : memref<!tpu.dma_semaphore, #tpu.memory_space<semaphore_mem>>) src(%dma_wait3A_135 : memref<128x128xf32, #tpu.memory_space<vmem>>) dst(%dma_wait3A_141 : memref<5120x128xf32, #tpu.memory_space<vmem_shared>>)
      tpu.yield
    }) : () -> ()
    %dma_wait3A_73 = arith.constant 77 : i32
    %dma_wait3A_74 = arith.constant 1 : i32
    %dma_wait3A_75 = arith.constant 0 : i32
    %dma_wait3A_76 = arith.constant 0 : i32
    %dma_wait3A_77 = tpu.memref_slice %arg9[%dma_wait3A_74, %dma_wait3A_75, %dma_wait3A_76] : memref<4x128x128xf32, #tpu.memory_space<vmem>> -> memref<1x128x128xf32, #tpu.memory_space<vmem>>
    %dma_wait3A_78 = tpu.memref_squeeze %dma_wait3A_77 : memref<1x128x128xf32, #tpu.memory_space<vmem>> -> memref<128x128xf32, #tpu.memory_space<vmem>>
    %dma_wait3A_79 = arith.constant 0 : i32
    %dma_wait3A_80 = tpu.memref_slice %arg7[%dma_wait3A_73, %dma_wait3A_79] : memref<80x128xi32, #tpu.memory_space<vmem>> -> memref<1x128xi32, #tpu.memory_space<vmem>>
    %dma_wait3A_81 = tpu.memref_squeeze %dma_wait3A_80 : memref<1x128xi32, #tpu.memory_space<vmem>> -> memref<128xi32, #tpu.memory_space<vmem>>
    %dma_wait3A_82 = arith.constant 0 : i32
    %dma_wait3A_83 = arith.constant 0 : i32
    %dma_wait3A_84 = tpu.memref_slice %arg2[%dma_wait3A_82, %dma_wait3A_83] : memref<10000x128xf32, #tpu.memory_space<hbm>> -> memref<10000x128xf32, #tpu.memory_space<hbm>>
    tpu.wait_indirect_dma semaphore(%arg12 : memref<!tpu.dma_semaphore, #tpu.memory_space<semaphore_mem>>) src(%dma_wait3A_84 : memref<10000x128xf32, #tpu.memory_space<hbm>>) dst(%dma_wait3A_78 : memref<128x128xf32, #tpu.memory_space<vmem>>)
    %run_scoped3A_85 = arith.constant 1 : i32
    %run_scoped3A_86 = arith.constant 77 : i32
    "tpu.region"() ({
      %run_scoped3A_121 = tpu.sem_alloc : memref<!tpu.dma_semaphore, #tpu.memory_space<semaphore_mem>>
      %dma_start3A_122 = arith.constant 0 : i32
      %dma_start3A_123 = arith.constant 0 : i32
      %dma_start3A_124 = tpu.memref_slice %arg9[%run_scoped3A_85, %dma_start3A_122, %dma_start3A_123] : memref<4x128x128xf32, #tpu.memory_space<vmem>> -> memref<1x128x128xf32, #tpu.memory_space<vmem>>
      %dma_start3A_125 = tpu.memref_squeeze %dma_start3A_124 : memref<1x128x128xf32, #tpu.memory_space<vmem>> -> memref<128x128xf32, #tpu.memory_space<vmem>>
      %dma_start3A_126 = arith.constant 0 : i32
      %dma_start3A_127 = tpu.memref_slice %arg8[%run_scoped3A_86, %dma_start3A_126] : memref<80x128xi32, #tpu.memory_space<vmem>> -> memref<1x128xi32, #tpu.memory_space<vmem>>
      %dma_start3A_128 = tpu.memref_squeeze %dma_start3A_127 : memref<1x128xi32, #tpu.memory_space<vmem>> -> memref<128xi32, #tpu.memory_space<vmem>>
      %dma_start3A_129 = arith.constant 0 : i32
      %dma_start3A_130 = arith.constant 0 : i32
      %dma_start3A_131 = tpu.memref_slice %arg10[%dma_start3A_129, %dma_start3A_130] : memref<5120x128xf32, #tpu.memory_space<vmem_shared>> -> memref<5120x128xf32, #tpu.memory_space<vmem_shared>>
      tpu.enqueue_indirect_dma source(%dma_start3A_125 : memref<128x128xf32, #tpu.memory_space<vmem>>) target(%dma_start3A_131 : memref<5120x128xf32, #tpu.memory_space<vmem_shared>>) offsets(%dma_start3A_128 : memref<128xi32, #tpu.memory_space<vmem>>) semaphore(%run_scoped3A_121 : memref<!tpu.dma_semaphore, #tpu.memory_space<semaphore_mem>>) {add = true}
      %dma_wait3A_132 = arith.constant 0 : i32
      %dma_wait3A_133 = arith.constant 0 : i32
      %dma_wait3A_134 = tpu.memref_slice %arg9[%run_scoped3A_85, %dma_wait3A_132, %dma_wait3A_133] : memref<4x128x128xf32, #tpu.memory_space<vmem>> -> memref<1x128x128xf32, #tpu.memory_space<vmem>>
      %dma_wait3A_135 = tpu.memref_squeeze %dma_wait3A_134 : memref<1x128x128xf32, #tpu.memory_space<vmem>> -> memref<128x128xf32, #tpu.memory_space<vmem>>
      %dma_wait3A_136 = arith.constant 0 : i32
      %dma_wait3A_137 = tpu.memref_slice %arg8[%run_scoped3A_86, %dma_wait3A_136] : memref<80x128xi32, #tpu.memory_space<vmem>> -> memref<1x128xi32, #tpu.memory_space<vmem>>
      %dma_wait3A_138 = tpu.memref_squeeze %dma_wait3A_137 : memref<1x128xi32, #tpu.memory_space<vmem>> -> memref<128xi32, #tpu.memory_space<vmem>>
      %dma_wait3A_139 = arith.constant 0 : i32
      %dma_wait3A_140 = arith.constant 0 : i32
      %dma_wait3A_141 = tpu.memref_slice %arg10[%dma_wait3A_139, %dma_wait3A_140] : memref<5120x128xf32, #tpu.memory_space<vmem_shared>> -> memref<5120x128xf32, #tpu.memory_space<vmem_shared>>
      tpu.wait_indirect_dma semaphore(%run_scoped3A_121 : memref<!tpu.dma_semaphore, #tpu.memory_space<semaphore_mem>>) src(%dma_wait3A_135 : memref<128x128xf32, #tpu.memory_space<vmem>>) dst(%dma_wait3A_141 : memref<5120x128xf32, #tpu.memory_space<vmem_shared>>)
      tpu.yield
    }) : () -> ()
    %dma_wait3A_87 = arith.constant 78 : i32
    %dma_wait3A_88 = arith.constant 2 : i32
    %dma_wait3A_89 = arith.constant 0 : i32
    %dma_wait3A_90 = arith.constant 0 : i32
    %dma_wait3A_91 = tpu.memref_slice %arg9[%dma_wait3A_88, %dma_wait3A_89, %dma_wait3A_90] : memref<4x128x128xf32, #tpu.memory_space<vmem>> -> memref<1x128x128xf32, #tpu.memory_space<vmem>>
    %dma_wait3A_92 = tpu.memref_squeeze %dma_wait3A_91 : memref<1x128x128xf32, #tpu.memory_space<vmem>> -> memref<128x128xf32, #tpu.memory_space<vmem>>
    %dma_wait3A_93 = arith.constant 0 : i32
    %dma_wait3A_94 = tpu.memref_slice %arg7[%dma_wait3A_87, %dma_wait3A_93] : memref<80x128xi32, #tpu.memory_space<vmem>> -> memref<1x128xi32, #tpu.memory_space<vmem>>
    %dma_wait3A_95 = tpu.memref_squeeze %dma_wait3A_94 : memref<1x128xi32, #tpu.memory_space<vmem>> -> memref<128xi32, #tpu.memory_space<vmem>>
    %dma_wait3A_96 = arith.constant 0 : i32
    %dma_wait3A_97 = arith.constant 0 : i32
    %dma_wait3A_98 = tpu.memref_slice %arg2[%dma_wait3A_96, %dma_wait3A_97] : memref<10000x128xf32, #tpu.memory_space<hbm>> -> memref<10000x128xf32, #tpu.memory_space<hbm>>
    tpu.wait_indirect_dma semaphore(%arg13 : memref<!tpu.dma_semaphore, #tpu.memory_space<semaphore_mem>>) src(%dma_wait3A_98 : memref<10000x128xf32, #tpu.memory_space<hbm>>) dst(%dma_wait3A_92 : memref<128x128xf32, #tpu.memory_space<vmem>>)
    %run_scoped3A_99 = arith.constant 2 : i32
    %run_scoped3A_100 = arith.constant 78 : i32
    "tpu.region"() ({
      %run_scoped3A_121 = tpu.sem_alloc : memref<!tpu.dma_semaphore, #tpu.memory_space<semaphore_mem>>
      %dma_start3A_122 = arith.constant 0 : i32
      %dma_start3A_123 = arith.constant 0 : i32
      %dma_start3A_124 = tpu.memref_slice %arg9[%run_scoped3A_99, %dma_start3A_122, %dma_start3A_123] : memref<4x128x128xf32, #tpu.memory_space<vmem>> -> memref<1x128x128xf32, #tpu.memory_space<vmem>>
      %dma_start3A_125 = tpu.memref_squeeze %dma_start3A_124 : memref<1x128x128xf32, #tpu.memory_space<vmem>> -> memref<128x128xf32, #tpu.memory_space<vmem>>
      %dma_start3A_126 = arith.constant 0 : i32
      %dma_start3A_127 = tpu.memref_slice %arg8[%run_scoped3A_100, %dma_start3A_126] : memref<80x128xi32, #tpu.memory_space<vmem>> -> memref<1x128xi32, #tpu.memory_space<vmem>>
      %dma_start3A_128 = tpu.memref_squeeze %dma_start3A_127 : memref<1x128xi32, #tpu.memory_space<vmem>> -> memref<128xi32, #tpu.memory_space<vmem>>
      %dma_start3A_129 = arith.constant 0 : i32
      %dma_start3A_130 = arith.constant 0 : i32
      %dma_start3A_131 = tpu.memref_slice %arg10[%dma_start3A_129, %dma_start3A_130] : memref<5120x128xf32, #tpu.memory_space<vmem_shared>> -> memref<5120x128xf32, #tpu.memory_space<vmem_shared>>
      tpu.enqueue_indirect_dma source(%dma_start3A_125 : memref<128x128xf32, #tpu.memory_space<vmem>>) target(%dma_start3A_131 : memref<5120x128xf32, #tpu.memory_space<vmem_shared>>) offsets(%dma_start3A_128 : memref<128xi32, #tpu.memory_space<vmem>>) semaphore(%run_scoped3A_121 : memref<!tpu.dma_semaphore, #tpu.memory_space<semaphore_mem>>) {add = true}
      %dma_wait3A_132 = arith.constant 0 : i32
      %dma_wait3A_133 = arith.constant 0 : i32
      %dma_wait3A_134 = tpu.memref_slice %arg9[%run_scoped3A_99, %dma_wait3A_132, %dma_wait3A_133] : memref<4x128x128xf32, #tpu.memory_space<vmem>> -> memref<1x128x128xf32, #tpu.memory_space<vmem>>
      %dma_wait3A_135 = tpu.memref_squeeze %dma_wait3A_134 : memref<1x128x128xf32, #tpu.memory_space<vmem>> -> memref<128x128xf32, #tpu.memory_space<vmem>>
      %dma_wait3A_136 = arith.constant 0 : i32
      %dma_wait3A_137 = tpu.memref_slice %arg8[%run_scoped3A_100, %dma_wait3A_136] : memref<80x128xi32, #tpu.memory_space<vmem>> -> memref<1x128xi32, #tpu.memory_space<vmem>>
      %dma_wait3A_138 = tpu.memref_squeeze %dma_wait3A_137 : memref<1x128xi32, #tpu.memory_space<vmem>> -> memref<128xi32, #tpu.memory_space<vmem>>
      %dma_wait3A_139 = arith.constant 0 : i32
      %dma_wait3A_140 = arith.constant 0 : i32
      %dma_wait3A_141 = tpu.memref_slice %arg10[%dma_wait3A_139, %dma_wait3A_140] : memref<5120x128xf32, #tpu.memory_space<vmem_shared>> -> memref<5120x128xf32, #tpu.memory_space<vmem_shared>>
      tpu.wait_indirect_dma semaphore(%run_scoped3A_121 : memref<!tpu.dma_semaphore, #tpu.memory_space<semaphore_mem>>) src(%dma_wait3A_135 : memref<128x128xf32, #tpu.memory_space<vmem>>) dst(%dma_wait3A_141 : memref<5120x128xf32, #tpu.memory_space<vmem_shared>>)
      tpu.yield
    }) : () -> ()
    %dma_wait3A_101 = arith.constant 79 : i32
    %dma_wait3A_102 = arith.constant 3 : i32
    %dma_wait3A_103 = arith.constant 0 : i32
    %dma_wait3A_104 = arith.constant 0 : i32
    %dma_wait3A_105 = tpu.memref_slice %arg9[%dma_wait3A_102, %dma_wait3A_103, %dma_wait3A_104] : memref<4x128x128xf32, #tpu.memory_space<vmem>> -> memref<1x128x128xf32, #tpu.memory_space<vmem>>
    %dma_wait3A_106 = tpu.memref_squeeze %dma_wait3A_105 : memref<1x128x128xf32, #tpu.memory_space<vmem>> -> memref<128x128xf32, #tpu.memory_space<vmem>>
    %dma_wait3A_107 = arith.constant 0 : i32
    %dma_wait3A_108 = tpu.memref_slice %arg7[%dma_wait3A_101, %dma_wait3A_107] : memref<80x128xi32, #tpu.memory_space<vmem>> -> memref<1x128xi32, #tpu.memory_space<vmem>>
    %dma_wait3A_109 = tpu.memref_squeeze %dma_wait3A_108 : memref<1x128xi32, #tpu.memory_space<vmem>> -> memref<128xi32, #tpu.memory_space<vmem>>
    %dma_wait3A_110 = arith.constant 0 : i32
    %dma_wait3A_111 = arith.constant 0 : i32
    %dma_wait3A_112 = tpu.memref_slice %arg2[%dma_wait3A_110, %dma_wait3A_111] : memref<10000x128xf32, #tpu.memory_space<hbm>> -> memref<10000x128xf32, #tpu.memory_space<hbm>>
    tpu.wait_indirect_dma semaphore(%arg14 : memref<!tpu.dma_semaphore, #tpu.memory_space<semaphore_mem>>) src(%dma_wait3A_112 : memref<10000x128xf32, #tpu.memory_space<hbm>>) dst(%dma_wait3A_106 : memref<128x128xf32, #tpu.memory_space<vmem>>)
    %run_scoped3A_113 = arith.constant 3 : i32
    %run_scoped3A_114 = arith.constant 79 : i32
    "tpu.region"() ({
      %run_scoped3A_121 = tpu.sem_alloc : memref<!tpu.dma_semaphore, #tpu.memory_space<semaphore_mem>>
      %dma_start3A_122 = arith.constant 0 : i32
      %dma_start3A_123 = arith.constant 0 : i32
      %dma_start3A_124 = tpu.memref_slice %arg9[%run_scoped3A_113, %dma_start3A_122, %dma_start3A_123] : memref<4x128x128xf32, #tpu.memory_space<vmem>> -> memref<1x128x128xf32, #tpu.memory_space<vmem>>
      %dma_start3A_125 = tpu.memref_squeeze %dma_start3A_124 : memref<1x128x128xf32, #tpu.memory_space<vmem>> -> memref<128x128xf32, #tpu.memory_space<vmem>>
      %dma_start3A_126 = arith.constant 0 : i32
      %dma_start3A_127 = tpu.memref_slice %arg8[%run_scoped3A_114, %dma_start3A_126] : memref<80x128xi32, #tpu.memory_space<vmem>> -> memref<1x128xi32, #tpu.memory_space<vmem>>
      %dma_start3A_128 = tpu.memref_squeeze %dma_start3A_127 : memref<1x128xi32, #tpu.memory_space<vmem>> -> memref<128xi32, #tpu.memory_space<vmem>>
      %dma_start3A_129 = arith.constant 0 : i32
      %dma_start3A_130 = arith.constant 0 : i32
      %dma_start3A_131 = tpu.memref_slice %arg10[%dma_start3A_129, %dma_start3A_130] : memref<5120x128xf32, #tpu.memory_space<vmem_shared>> -> memref<5120x128xf32, #tpu.memory_space<vmem_shared>>
      tpu.enqueue_indirect_dma source(%dma_start3A_125 : memref<128x128xf32, #tpu.memory_space<vmem>>) target(%dma_start3A_131 : memref<5120x128xf32, #tpu.memory_space<vmem_shared>>) offsets(%dma_start3A_128 : memref<128xi32, #tpu.memory_space<vmem>>) semaphore(%run_scoped3A_121 : memref<!tpu.dma_semaphore, #tpu.memory_space<semaphore_mem>>) {add = true}
      %dma_wait3A_132 = arith.constant 0 : i32
      %dma_wait3A_133 = arith.constant 0 : i32
      %dma_wait3A_134 = tpu.memref_slice %arg9[%run_scoped3A_113, %dma_wait3A_132, %dma_wait3A_133] : memref<4x128x128xf32, #tpu.memory_space<vmem>> -> memref<1x128x128xf32, #tpu.memory_space<vmem>>
      %dma_wait3A_135 = tpu.memref_squeeze %dma_wait3A_134 : memref<1x128x128xf32, #tpu.memory_space<vmem>> -> memref<128x128xf32, #tpu.memory_space<vmem>>
      %dma_wait3A_136 = arith.constant 0 : i32
      %dma_wait3A_137 = tpu.memref_slice %arg8[%run_scoped3A_114, %dma_wait3A_136] : memref<80x128xi32, #tpu.memory_space<vmem>> -> memref<1x128xi32, #tpu.memory_space<vmem>>
      %dma_wait3A_138 = tpu.memref_squeeze %dma_wait3A_137 : memref<1x128xi32, #tpu.memory_space<vmem>> -> memref<128xi32, #tpu.memory_space<vmem>>
      %dma_wait3A_139 = arith.constant 0 : i32
      %dma_wait3A_140 = arith.constant 0 : i32
      %dma_wait3A_141 = tpu.memref_slice %arg10[%dma_wait3A_139, %dma_wait3A_140] : memref<5120x128xf32, #tpu.memory_space<vmem_shared>> -> memref<5120x128xf32, #tpu.memory_space<vmem_shared>>
      tpu.wait_indirect_dma semaphore(%run_scoped3A_121 : memref<!tpu.dma_semaphore, #tpu.memory_space<semaphore_mem>>) src(%dma_wait3A_135 : memref<128x128xf32, #tpu.memory_space<vmem>>) dst(%dma_wait3A_141 : memref<5120x128xf32, #tpu.memory_space<vmem_shared>>)
      tpu.yield
    }) : () -> ()
    %barrier3A_115 = arith.constant 0 : index
    tpu.barrier barrier_id(%barrier3A_115)
    %scan3A_116 = arith.constant 0 : i32
    %scan3A_117 = arith.constant 3 : i32
    %scan3A_118 = arith.addi %scan3A_116, %scan3A_117 : i32
    %scan3A_119 = arith.constant 1 : i32
    scf.for %scan3A_121 = %scan3A_116 to %scan3A_118 step %scan3A_119  : i32 {
      %mul3A_122 = arith.constant 1 : i32
      %mul3A_123 = arith.muli %scan3A_121, %mul3A_122 : i32
      %add3A_124 = arith.constant 0 : i32
      %add3A_125 = arith.addi %add3A_124, %mul3A_123 : i32
      %mul3A_126 = arith.constant 16 : i32
      %mul3A_127 = arith.muli %add3A_125, %mul3A_126 : i32
      %add3A_128 = arith.addi %mul3A_127, %arg1 : i32
      %lt3A = arith.constant 40 : i32
      %lt3A_129 = arith.cmpi slt, %add3A_128, %lt3A : i32
      %convert_element_type3A = arith.extui %lt3A_129 : i1 to i32
      %cond3A = arith.constant 0 : i32
      %cond3A_130 = arith.cmpi ne, %convert_element_type3A, %cond3A : i32
      scf.if %cond3A_130 {
        %mul3A_131 = arith.constant 128 : i32
        %mul3A_132 = arith.muli %add3A_128, %mul3A_131 : i32
        %mul3A_133 = arith.constant 5120 : i32
        %mul3A_134 = arith.muli %arg0, %mul3A_133 : i32
        %mul3A_135 = arith.constant 128 : i32
        %mul3A_136 = arith.muli %add3A_128, %mul3A_135 : i32
        %add3A_137 = arith.addi %mul3A_134, %mul3A_136 : i32
        "tpu.region"() ({
          %run_scoped3A_138 = tpu.sem_alloc : memref<!tpu.dma_semaphore, #tpu.memory_space<semaphore_mem>>
          %dma_start3A_139 = arith.constant 0 : i32
          %dma_start3A_140 = tpu.memref_slice %arg6[%add3A_137, %dma_start3A_139] : memref<10240x128xf32, #tpu.memory_space<hbm>> -> memref<128x128xf32, #tpu.memory_space<hbm>>
          %dma_start3A_141 = arith.constant 0 : i32
          %dma_start3A_142 = tpu.memref_slice %arg10[%mul3A_132, %dma_start3A_141] : memref<5120x128xf32, #tpu.memory_space<vmem_shared>> -> memref<128x128xf32, #tpu.memory_space<vmem_shared>>
          tpu.enqueue_dma source(%dma_start3A_142 : memref<128x128xf32, #tpu.memory_space<vmem_shared>>) target(%dma_start3A_140 : memref<128x128xf32, #tpu.memory_space<hbm>>) target_semaphore(%run_scoped3A_138 : memref<!tpu.dma_semaphore, #tpu.memory_space<semaphore_mem>>)
          %dma_wait3A_143 = arith.constant 0 : i32
          %dma_wait3A_144 = tpu.memref_slice %arg6[%add3A_137, %dma_wait3A_143] : memref<10240x128xf32, #tpu.memory_space<hbm>> -> memref<128x128xf32, #tpu.memory_space<hbm>>
          %dma_wait3A_145 = arith.constant 0 : i32
          %dma_wait3A_146 = tpu.memref_slice %arg10[%mul3A_132, %dma_wait3A_145] : memref<5120x128xf32, #tpu.memory_space<vmem_shared>> -> memref<128x128xf32, #tpu.memory_space<vmem_shared>>
          tpu.wait_dma2 semaphore(%run_scoped3A_138 : memref<!tpu.dma_semaphore, #tpu.memory_space<semaphore_mem>>) src(%dma_wait3A_146 : memref<128x128xf32, #tpu.memory_space<vmem_shared>>) dst(%dma_wait3A_144 : memref<128x128xf32, #tpu.memory_space<hbm>>)
          tpu.yield
        }) : () -> ()
      } else {
      }
    }
    %scan3A_120 = arith.constant 3 : i32
    return
  }
}

#map = affine_map<(d0, d1) -> (0, 0)>
module attributes {stable_mosaic.version = 14 : i64} {
  func.func @sc_kernel(%arg0: i32, %arg1: i32, %arg2: memref<5000x128xf32, #tpu.memory_space<hbm>>, %arg3: memref<2560x128xi32, #tpu.memory_space<hbm>>, %arg4: memref<2560x128xi32, #tpu.memory_space<hbm>>, %arg5: memref<128x128xf32, #tpu.memory_space<hbm>>, %arg6: memref<20224x128xf32, #tpu.memory_space<hbm>>, %arg7: memref<40x128xi32, #tpu.memory_space<vmem>>, %arg8: memref<40x128xi32, #tpu.memory_space<vmem>>, %arg9: memref<2x128x128xf32, #tpu.memory_space<vmem>>, %arg10: memref<10112x128xf32, #tpu.memory_space<vmem_shared>>, %arg11: memref<!tpu.dma_semaphore, #tpu.memory_space<semaphore_mem>>, %arg12: memref<!tpu.dma_semaphore, #tpu.memory_space<semaphore_mem>>) attributes {dimension_semantics = [#tpu.dimension_semantics<core_parallel>, #tpu.dimension_semantics<subcore_parallel>], iteration_bounds = array<i64: 2, 16>, scalar_prefetch = 0 : i64, scratch_operands = 6 : i64, tpu.core_type = #tpu.core_type<sc_vector_subcore>, window_params = [{transform_indices = #map}, {transform_indices = #map}, {transform_indices = #map}, {transform_indices = #map}, {transform_indices = #map}]} {
    %mul3A = arith.constant 2 : i32
    %mul3A_0 = arith.muli %arg1, %mul3A : i32
    %add3A = arith.addi %mul3A_0, %arg0 : i32
    %scan3A = arith.constant 0 : i32
    %scan3A_1 = arith.constant 5 : i32
    %scan3A_2 = arith.addi %scan3A, %scan3A_1 : i32
    %scan3A_3 = arith.constant 1 : i32
    scf.for %scan3A_130 = %scan3A to %scan3A_2 step %scan3A_3  : i32 {
      %mul3A_131 = arith.constant 1 : i32
      %mul3A_132 = arith.muli %scan3A_130, %mul3A_131 : i32
      %add3A_133 = arith.constant 0 : i32
      %add3A_134 = arith.addi %add3A_133, %mul3A_132 : i32
      %mul3A_135 = arith.constant 16 : i32
      %mul3A_136 = arith.muli %add3A_134, %mul3A_135 : i32
      %add3A_137 = arith.addi %mul3A_136, %arg1 : i32
      %lt3A = arith.constant 79 : i32
      %lt3A_138 = arith.cmpi slt, %add3A_137, %lt3A : i32
      %convert_element_type3A = arith.extui %lt3A_138 : i1 to i32
      %cond3A = arith.constant 0 : i32
      %cond3A_139 = arith.cmpi ne, %convert_element_type3A, %cond3A : i32
      scf.if %cond3A_139 {
        %mul3A_140 = arith.constant 128 : i32
        %mul3A_141 = arith.muli %add3A_137, %mul3A_140 : i32
        "tpu.region"() ({
          %run_scoped3A_142 = tpu.sem_alloc : memref<!tpu.dma_semaphore, #tpu.memory_space<semaphore_mem>>
          %dma_start3A_143 = arith.constant 0 : i32
          %dma_start3A_144 = tpu.memref_slice %arg10[%mul3A_141, %dma_start3A_143] : memref<10112x128xf32, #tpu.memory_space<vmem_shared>> -> memref<128x128xf32, #tpu.memory_space<vmem_shared>>
          tpu.enqueue_dma source(%arg5 : memref<128x128xf32, #tpu.memory_space<hbm>>) target(%dma_start3A_144 : memref<128x128xf32, #tpu.memory_space<vmem_shared>>) target_semaphore(%run_scoped3A_142 : memref<!tpu.dma_semaphore, #tpu.memory_space<semaphore_mem>>)
          %dma_wait3A_145 = arith.constant 0 : i32
          %dma_wait3A_146 = tpu.memref_slice %arg10[%mul3A_141, %dma_wait3A_145] : memref<10112x128xf32, #tpu.memory_space<vmem_shared>> -> memref<128x128xf32, #tpu.memory_space<vmem_shared>>
          tpu.wait_dma2 semaphore(%run_scoped3A_142 : memref<!tpu.dma_semaphore, #tpu.memory_space<semaphore_mem>>) src(%arg5 : memref<128x128xf32, #tpu.memory_space<hbm>>) dst(%dma_wait3A_146 : memref<128x128xf32, #tpu.memory_space<vmem_shared>>)
          tpu.yield
        }) : () -> ()
      } else {
      }
    }
    %scan3A_4 = arith.constant 5 : i32
    %mul3A_5 = arith.constant 80 : i32
    %mul3A_6 = arith.muli %add3A, %mul3A_5 : i32
    %add3A_7 = arith.constant 0 : i32
    %add3A_8 = arith.addi %mul3A_6, %add3A_7 : i32
    "tpu.region"() ({
      %run_scoped3A_130 = tpu.sem_alloc : memref<!tpu.dma_semaphore, #tpu.memory_space<semaphore_mem>>
      %dma_start3A_131 = arith.constant 0 : i32
      %dma_start3A_132 = tpu.memref_slice %arg3[%add3A_8, %dma_start3A_131] : memref<2560x128xi32, #tpu.memory_space<hbm>> -> memref<40x128xi32, #tpu.memory_space<hbm>>
      %dma_start3A_133 = arith.constant 0 : i32
      %dma_start3A_134 = tpu.memref_slice %arg3[%add3A_8, %dma_start3A_133] : memref<2560x128xi32, #tpu.memory_space<hbm>> -> memref<40x128xi32, #tpu.memory_space<hbm>>
      tpu.enqueue_dma source(%dma_start3A_134 : memref<40x128xi32, #tpu.memory_space<hbm>>) target(%arg7 : memref<40x128xi32, #tpu.memory_space<vmem>>) target_semaphore(%run_scoped3A_130 : memref<!tpu.dma_semaphore, #tpu.memory_space<semaphore_mem>>)
      %dma_wait3A_135 = arith.constant 0 : i32
      %dma_wait3A_136 = tpu.memref_slice %arg3[%add3A_8, %dma_wait3A_135] : memref<2560x128xi32, #tpu.memory_space<hbm>> -> memref<40x128xi32, #tpu.memory_space<hbm>>
      %dma_wait3A_137 = arith.constant 0 : i32
      %dma_wait3A_138 = tpu.memref_slice %arg3[%add3A_8, %dma_wait3A_137] : memref<2560x128xi32, #tpu.memory_space<hbm>> -> memref<40x128xi32, #tpu.memory_space<hbm>>
      tpu.wait_dma2 semaphore(%run_scoped3A_130 : memref<!tpu.dma_semaphore, #tpu.memory_space<semaphore_mem>>) src(%dma_wait3A_138 : memref<40x128xi32, #tpu.memory_space<hbm>>) dst(%arg7 : memref<40x128xi32, #tpu.memory_space<vmem>>)
      tpu.yield
    }) : () -> ()
    "tpu.region"() ({
      %run_scoped3A_130 = tpu.sem_alloc : memref<!tpu.dma_semaphore, #tpu.memory_space<semaphore_mem>>
      %dma_start3A_131 = arith.constant 0 : i32
      %dma_start3A_132 = tpu.memref_slice %arg4[%add3A_8, %dma_start3A_131] : memref<2560x128xi32, #tpu.memory_space<hbm>> -> memref<40x128xi32, #tpu.memory_space<hbm>>
      %dma_start3A_133 = arith.constant 0 : i32
      %dma_start3A_134 = tpu.memref_slice %arg4[%add3A_8, %dma_start3A_133] : memref<2560x128xi32, #tpu.memory_space<hbm>> -> memref<40x128xi32, #tpu.memory_space<hbm>>
      tpu.enqueue_dma source(%dma_start3A_134 : memref<40x128xi32, #tpu.memory_space<hbm>>) target(%arg8 : memref<40x128xi32, #tpu.memory_space<vmem>>) target_semaphore(%run_scoped3A_130 : memref<!tpu.dma_semaphore, #tpu.memory_space<semaphore_mem>>)
      %dma_wait3A_135 = arith.constant 0 : i32
      %dma_wait3A_136 = tpu.memref_slice %arg4[%add3A_8, %dma_wait3A_135] : memref<2560x128xi32, #tpu.memory_space<hbm>> -> memref<40x128xi32, #tpu.memory_space<hbm>>
      %dma_wait3A_137 = arith.constant 0 : i32
      %dma_wait3A_138 = tpu.memref_slice %arg4[%add3A_8, %dma_wait3A_137] : memref<2560x128xi32, #tpu.memory_space<hbm>> -> memref<40x128xi32, #tpu.memory_space<hbm>>
      tpu.wait_dma2 semaphore(%run_scoped3A_130 : memref<!tpu.dma_semaphore, #tpu.memory_space<semaphore_mem>>) src(%dma_wait3A_138 : memref<40x128xi32, #tpu.memory_space<hbm>>) dst(%arg8 : memref<40x128xi32, #tpu.memory_space<vmem>>)
      tpu.yield
    }) : () -> ()
    %barrier3A = arith.constant 0 : index
    tpu.barrier barrier_id(%barrier3A)
    %dma_start3A = arith.constant 0 : i32
    %dma_start3A_9 = arith.constant 0 : i32
    %dma_start3A_10 = arith.constant 0 : i32
    %dma_start3A_11 = arith.constant 0 : i32
    %dma_start3A_12 = tpu.memref_slice %arg9[%dma_start3A_9, %dma_start3A_10, %dma_start3A_11] : memref<2x128x128xf32, #tpu.memory_space<vmem>> -> memref<1x128x128xf32, #tpu.memory_space<vmem>>
    %dma_start3A_13 = tpu.memref_squeeze %dma_start3A_12 : memref<1x128x128xf32, #tpu.memory_space<vmem>> -> memref<128x128xf32, #tpu.memory_space<vmem>>
    %dma_start3A_14 = arith.constant 0 : i32
    %dma_start3A_15 = tpu.memref_slice %arg7[%dma_start3A, %dma_start3A_14] : memref<40x128xi32, #tpu.memory_space<vmem>> -> memref<1x128xi32, #tpu.memory_space<vmem>>
    %dma_start3A_16 = tpu.memref_squeeze %dma_start3A_15 : memref<1x128xi32, #tpu.memory_space<vmem>> -> memref<128xi32, #tpu.memory_space<vmem>>
    %dma_start3A_17 = arith.constant 0 : i32
    %dma_start3A_18 = arith.constant 0 : i32
    %dma_start3A_19 = tpu.memref_slice %arg2[%dma_start3A_17, %dma_start3A_18] : memref<5000x128xf32, #tpu.memory_space<hbm>> -> memref<5000x128xf32, #tpu.memory_space<hbm>>
    tpu.enqueue_indirect_dma source(%dma_start3A_19 : memref<5000x128xf32, #tpu.memory_space<hbm>>) target(%dma_start3A_13 : memref<128x128xf32, #tpu.memory_space<vmem>>) offsets(%dma_start3A_16 : memref<128xi32, #tpu.memory_space<vmem>>) semaphore(%arg11 : memref<!tpu.dma_semaphore, #tpu.memory_space<semaphore_mem>>)
    %dma_start3A_20 = arith.constant 1 : i32
    %dma_start3A_21 = arith.constant 1 : i32
    %dma_start3A_22 = arith.constant 0 : i32
    %dma_start3A_23 = arith.constant 0 : i32
    %dma_start3A_24 = tpu.memref_slice %arg9[%dma_start3A_21, %dma_start3A_22, %dma_start3A_23] : memref<2x128x128xf32, #tpu.memory_space<vmem>> -> memref<1x128x128xf32, #tpu.memory_space<vmem>>
    %dma_start3A_25 = tpu.memref_squeeze %dma_start3A_24 : memref<1x128x128xf32, #tpu.memory_space<vmem>> -> memref<128x128xf32, #tpu.memory_space<vmem>>
    %dma_start3A_26 = arith.constant 0 : i32
    %dma_start3A_27 = tpu.memref_slice %arg7[%dma_start3A_20, %dma_start3A_26] : memref<40x128xi32, #tpu.memory_space<vmem>> -> memref<1x128xi32, #tpu.memory_space<vmem>>
    %dma_start3A_28 = tpu.memref_squeeze %dma_start3A_27 : memref<1x128xi32, #tpu.memory_space<vmem>> -> memref<128xi32, #tpu.memory_space<vmem>>
    %dma_start3A_29 = arith.constant 0 : i32
    %dma_start3A_30 = arith.constant 0 : i32
    %dma_start3A_31 = tpu.memref_slice %arg2[%dma_start3A_29, %dma_start3A_30] : memref<5000x128xf32, #tpu.memory_space<hbm>> -> memref<5000x128xf32, #tpu.memory_space<hbm>>
    tpu.enqueue_indirect_dma source(%dma_start3A_31 : memref<5000x128xf32, #tpu.memory_space<hbm>>) target(%dma_start3A_25 : memref<128x128xf32, #tpu.memory_space<vmem>>) offsets(%dma_start3A_28 : memref<128xi32, #tpu.memory_space<vmem>>) semaphore(%arg12 : memref<!tpu.dma_semaphore, #tpu.memory_space<semaphore_mem>>)
    %scan3A_32 = arith.constant 0 : i32
    %scan3A_33 = arith.constant 19 : i32
    %scan3A_34 = arith.addi %scan3A_32, %scan3A_33 : i32
    %scan3A_35 = arith.constant 1 : i32
    scf.for %scan3A_130 = %scan3A_32 to %scan3A_34 step %scan3A_35  : i32 {
      %mul3A_131 = arith.constant 1 : i32
      %mul3A_132 = arith.muli %scan3A_130, %mul3A_131 : i32
      %add3A_133 = arith.constant 0 : i32
      %add3A_134 = arith.addi %add3A_133, %mul3A_132 : i32
      %mul3A_135 = arith.constant 2 : i32
      %mul3A_136 = arith.muli %mul3A_135, %add3A_134 : i32
      %add3A_137 = arith.constant 0 : i32
      %add3A_138 = arith.addi %mul3A_136, %add3A_137 : i32
      %dma_wait3A_139 = arith.constant 0 : i32
      %dma_wait3A_140 = arith.constant 0 : i32
      %dma_wait3A_141 = arith.constant 0 : i32
      %dma_wait3A_142 = tpu.memref_slice %arg9[%dma_wait3A_139, %dma_wait3A_140, %dma_wait3A_141] : memref<2x128x128xf32, #tpu.memory_space<vmem>> -> memref<1x128x128xf32, #tpu.memory_space<vmem>>
      %dma_wait3A_143 = tpu.memref_squeeze %dma_wait3A_142 : memref<1x128x128xf32, #tpu.memory_space<vmem>> -> memref<128x128xf32, #tpu.memory_space<vmem>>
      %dma_wait3A_144 = arith.constant 0 : i32
      %dma_wait3A_145 = tpu.memref_slice %arg7[%add3A_138, %dma_wait3A_144] : memref<40x128xi32, #tpu.memory_space<vmem>> -> memref<1x128xi32, #tpu.memory_space<vmem>>
      %dma_wait3A_146 = tpu.memref_squeeze %dma_wait3A_145 : memref<1x128xi32, #tpu.memory_space<vmem>> -> memref<128xi32, #tpu.memory_space<vmem>>
      %dma_wait3A_147 = arith.constant 0 : i32
      %dma_wait3A_148 = arith.constant 0 : i32
      %dma_wait3A_149 = tpu.memref_slice %arg2[%dma_wait3A_147, %dma_wait3A_148] : memref<5000x128xf32, #tpu.memory_space<hbm>> -> memref<5000x128xf32, #tpu.memory_space<hbm>>
      tpu.wait_indirect_dma semaphore(%arg11 : memref<!tpu.dma_semaphore, #tpu.memory_space<semaphore_mem>>) src(%dma_wait3A_149 : memref<5000x128xf32, #tpu.memory_space<hbm>>) dst(%dma_wait3A_143 : memref<128x128xf32, #tpu.memory_space<vmem>>)
      %add3A_150 = arith.constant 0 : i32
      %add3A_151 = arith.addi %mul3A_136, %add3A_150 : i32
      %run_scoped3A_152 = arith.constant 0 : i32
      "tpu.region"() ({
        %run_scoped3A_199 = tpu.sem_alloc : memref<!tpu.dma_semaphore, #tpu.memory_space<semaphore_mem>>
        %dma_start3A_200 = arith.constant 0 : i32
        %dma_start3A_201 = arith.constant 0 : i32
        %dma_start3A_202 = tpu.memref_slice %arg9[%run_scoped3A_152, %dma_start3A_200, %dma_start3A_201] : memref<2x128x128xf32, #tpu.memory_space<vmem>> -> memref<1x128x128xf32, #tpu.memory_space<vmem>>
        %dma_start3A_203 = tpu.memref_squeeze %dma_start3A_202 : memref<1x128x128xf32, #tpu.memory_space<vmem>> -> memref<128x128xf32, #tpu.memory_space<vmem>>
        %dma_start3A_204 = arith.constant 0 : i32
        %dma_start3A_205 = tpu.memref_slice %arg8[%add3A_151, %dma_start3A_204] : memref<40x128xi32, #tpu.memory_space<vmem>> -> memref<1x128xi32, #tpu.memory_space<vmem>>
        %dma_start3A_206 = tpu.memref_squeeze %dma_start3A_205 : memref<1x128xi32, #tpu.memory_space<vmem>> -> memref<128xi32, #tpu.memory_space<vmem>>
        %dma_start3A_207 = arith.constant 0 : i32
        %dma_start3A_208 = arith.constant 0 : i32
        %dma_start3A_209 = tpu.memref_slice %arg10[%dma_start3A_207, %dma_start3A_208] : memref<10112x128xf32, #tpu.memory_space<vmem_shared>> -> memref<10112x128xf32, #tpu.memory_space<vmem_shared>>
        tpu.enqueue_indirect_dma source(%dma_start3A_203 : memref<128x128xf32, #tpu.memory_space<vmem>>) target(%dma_start3A_209 : memref<10112x128xf32, #tpu.memory_space<vmem_shared>>) offsets(%dma_start3A_206 : memref<128xi32, #tpu.memory_space<vmem>>) semaphore(%run_scoped3A_199 : memref<!tpu.dma_semaphore, #tpu.memory_space<semaphore_mem>>) {add = true}
        %dma_wait3A_210 = arith.constant 0 : i32
        %dma_wait3A_211 = arith.constant 0 : i32
        %dma_wait3A_212 = tpu.memref_slice %arg9[%run_scoped3A_152, %dma_wait3A_210, %dma_wait3A_211] : memref<2x128x128xf32, #tpu.memory_space<vmem>> -> memref<1x128x128xf32, #tpu.memory_space<vmem>>
        %dma_wait3A_213 = tpu.memref_squeeze %dma_wait3A_212 : memref<1x128x128xf32, #tpu.memory_space<vmem>> -> memref<128x128xf32, #tpu.memory_space<vmem>>
        %dma_wait3A_214 = arith.constant 0 : i32
        %dma_wait3A_215 = tpu.memref_slice %arg8[%add3A_151, %dma_wait3A_214] : memref<40x128xi32, #tpu.memory_space<vmem>> -> memref<1x128xi32, #tpu.memory_space<vmem>>
        %dma_wait3A_216 = tpu.memref_squeeze %dma_wait3A_215 : memref<1x128xi32, #tpu.memory_space<vmem>> -> memref<128xi32, #tpu.memory_space<vmem>>
        %dma_wait3A_217 = arith.constant 0 : i32
        %dma_wait3A_218 = arith.constant 0 : i32
        %dma_wait3A_219 = tpu.memref_slice %arg10[%dma_wait3A_217, %dma_wait3A_218] : memref<10112x128xf32, #tpu.memory_space<vmem_shared>> -> memref<10112x128xf32, #tpu.memory_space<vmem_shared>>
        tpu.wait_indirect_dma semaphore(%run_scoped3A_199 : memref<!tpu.dma_semaphore, #tpu.memory_space<semaphore_mem>>) src(%dma_wait3A_213 : memref<128x128xf32, #tpu.memory_space<vmem>>) dst(%dma_wait3A_219 : memref<10112x128xf32, #tpu.memory_space<vmem_shared>>)
        tpu.yield
      }) : () -> ()
      %add3A_153 = arith.constant 2 : i32
      %add3A_154 = arith.addi %mul3A_136, %add3A_153 : i32
      %add3A_155 = arith.constant 0 : i32
      %add3A_156 = arith.addi %add3A_154, %add3A_155 : i32
      %dma_start3A_157 = arith.constant 0 : i32
      %dma_start3A_158 = arith.constant 0 : i32
      %dma_start3A_159 = arith.constant 0 : i32
      %dma_start3A_160 = tpu.memref_slice %arg9[%dma_start3A_157, %dma_start3A_158, %dma_start3A_159] : memref<2x128x128xf32, #tpu.memory_space<vmem>> -> memref<1x128x128xf32, #tpu.memory_space<vmem>>
      %dma_start3A_161 = tpu.memref_squeeze %dma_start3A_160 : memref<1x128x128xf32, #tpu.memory_space<vmem>> -> memref<128x128xf32, #tpu.memory_space<vmem>>
      %dma_start3A_162 = arith.constant 0 : i32
      %dma_start3A_163 = tpu.memref_slice %arg7[%add3A_156, %dma_start3A_162] : memref<40x128xi32, #tpu.memory_space<vmem>> -> memref<1x128xi32, #tpu.memory_space<vmem>>
      %dma_start3A_164 = tpu.memref_squeeze %dma_start3A_163 : memref<1x128xi32, #tpu.memory_space<vmem>> -> memref<128xi32, #tpu.memory_space<vmem>>
      %dma_start3A_165 = arith.constant 0 : i32
      %dma_start3A_166 = arith.constant 0 : i32
      %dma_start3A_167 = tpu.memref_slice %arg2[%dma_start3A_165, %dma_start3A_166] : memref<5000x128xf32, #tpu.memory_space<hbm>> -> memref<5000x128xf32, #tpu.memory_space<hbm>>
      tpu.enqueue_indirect_dma source(%dma_start3A_167 : memref<5000x128xf32, #tpu.memory_space<hbm>>) target(%dma_start3A_161 : memref<128x128xf32, #tpu.memory_space<vmem>>) offsets(%dma_start3A_164 : memref<128xi32, #tpu.memory_space<vmem>>) semaphore(%arg11 : memref<!tpu.dma_semaphore, #tpu.memory_space<semaphore_mem>>)
      %add3A_168 = arith.constant 1 : i32
      %add3A_169 = arith.addi %mul3A_136, %add3A_168 : i32
      %dma_wait3A_170 = arith.constant 1 : i32
      %dma_wait3A_171 = arith.constant 0 : i32
      %dma_wait3A_172 = arith.constant 0 : i32
      %dma_wait3A_173 = tpu.memref_slice %arg9[%dma_wait3A_170, %dma_wait3A_171, %dma_wait3A_172] : memref<2x128x128xf32, #tpu.memory_space<vmem>> -> memref<1x128x128xf32, #tpu.memory_space<vmem>>
      %dma_wait3A_174 = tpu.memref_squeeze %dma_wait3A_173 : memref<1x128x128xf32, #tpu.memory_space<vmem>> -> memref<128x128xf32, #tpu.memory_space<vmem>>
      %dma_wait3A_175 = arith.constant 0 : i32
      %dma_wait3A_176 = tpu.memref_slice %arg7[%add3A_169, %dma_wait3A_175] : memref<40x128xi32, #tpu.memory_space<vmem>> -> memref<1x128xi32, #tpu.memory_space<vmem>>
      %dma_wait3A_177 = tpu.memref_squeeze %dma_wait3A_176 : memref<1x128xi32, #tpu.memory_space<vmem>> -> memref<128xi32, #tpu.memory_space<vmem>>
      %dma_wait3A_178 = arith.constant 0 : i32
      %dma_wait3A_179 = arith.constant 0 : i32
      %dma_wait3A_180 = tpu.memref_slice %arg2[%dma_wait3A_178, %dma_wait3A_179] : memref<5000x128xf32, #tpu.memory_space<hbm>> -> memref<5000x128xf32, #tpu.memory_space<hbm>>
      tpu.wait_indirect_dma semaphore(%arg12 : memref<!tpu.dma_semaphore, #tpu.memory_space<semaphore_mem>>) src(%dma_wait3A_180 : memref<5000x128xf32, #tpu.memory_space<hbm>>) dst(%dma_wait3A_174 : memref<128x128xf32, #tpu.memory_space<vmem>>)
      %add3A_181 = arith.constant 1 : i32
      %add3A_182 = arith.addi %mul3A_136, %add3A_181 : i32
      %run_scoped3A_183 = arith.constant 1 : i32
      "tpu.region"() ({
        %run_scoped3A_199 = tpu.sem_alloc : memref<!tpu.dma_semaphore, #tpu.memory_space<semaphore_mem>>
        %dma_start3A_200 = arith.constant 0 : i32
        %dma_start3A_201 = arith.constant 0 : i32
        %dma_start3A_202 = tpu.memref_slice %arg9[%run_scoped3A_183, %dma_start3A_200, %dma_start3A_201] : memref<2x128x128xf32, #tpu.memory_space<vmem>> -> memref<1x128x128xf32, #tpu.memory_space<vmem>>
        %dma_start3A_203 = tpu.memref_squeeze %dma_start3A_202 : memref<1x128x128xf32, #tpu.memory_space<vmem>> -> memref<128x128xf32, #tpu.memory_space<vmem>>
        %dma_start3A_204 = arith.constant 0 : i32
        %dma_start3A_205 = tpu.memref_slice %arg8[%add3A_182, %dma_start3A_204] : memref<40x128xi32, #tpu.memory_space<vmem>> -> memref<1x128xi32, #tpu.memory_space<vmem>>
        %dma_start3A_206 = tpu.memref_squeeze %dma_start3A_205 : memref<1x128xi32, #tpu.memory_space<vmem>> -> memref<128xi32, #tpu.memory_space<vmem>>
        %dma_start3A_207 = arith.constant 0 : i32
        %dma_start3A_208 = arith.constant 0 : i32
        %dma_start3A_209 = tpu.memref_slice %arg10[%dma_start3A_207, %dma_start3A_208] : memref<10112x128xf32, #tpu.memory_space<vmem_shared>> -> memref<10112x128xf32, #tpu.memory_space<vmem_shared>>
        tpu.enqueue_indirect_dma source(%dma_start3A_203 : memref<128x128xf32, #tpu.memory_space<vmem>>) target(%dma_start3A_209 : memref<10112x128xf32, #tpu.memory_space<vmem_shared>>) offsets(%dma_start3A_206 : memref<128xi32, #tpu.memory_space<vmem>>) semaphore(%run_scoped3A_199 : memref<!tpu.dma_semaphore, #tpu.memory_space<semaphore_mem>>) {add = true}
        %dma_wait3A_210 = arith.constant 0 : i32
        %dma_wait3A_211 = arith.constant 0 : i32
        %dma_wait3A_212 = tpu.memref_slice %arg9[%run_scoped3A_183, %dma_wait3A_210, %dma_wait3A_211] : memref<2x128x128xf32, #tpu.memory_space<vmem>> -> memref<1x128x128xf32, #tpu.memory_space<vmem>>
        %dma_wait3A_213 = tpu.memref_squeeze %dma_wait3A_212 : memref<1x128x128xf32, #tpu.memory_space<vmem>> -> memref<128x128xf32, #tpu.memory_space<vmem>>
        %dma_wait3A_214 = arith.constant 0 : i32
        %dma_wait3A_215 = tpu.memref_slice %arg8[%add3A_182, %dma_wait3A_214] : memref<40x128xi32, #tpu.memory_space<vmem>> -> memref<1x128xi32, #tpu.memory_space<vmem>>
        %dma_wait3A_216 = tpu.memref_squeeze %dma_wait3A_215 : memref<1x128xi32, #tpu.memory_space<vmem>> -> memref<128xi32, #tpu.memory_space<vmem>>
        %dma_wait3A_217 = arith.constant 0 : i32
        %dma_wait3A_218 = arith.constant 0 : i32
        %dma_wait3A_219 = tpu.memref_slice %arg10[%dma_wait3A_217, %dma_wait3A_218] : memref<10112x128xf32, #tpu.memory_space<vmem_shared>> -> memref<10112x128xf32, #tpu.memory_space<vmem_shared>>
        tpu.wait_indirect_dma semaphore(%run_scoped3A_199 : memref<!tpu.dma_semaphore, #tpu.memory_space<semaphore_mem>>) src(%dma_wait3A_213 : memref<128x128xf32, #tpu.memory_space<vmem>>) dst(%dma_wait3A_219 : memref<10112x128xf32, #tpu.memory_space<vmem_shared>>)
        tpu.yield
      }) : () -> ()
      %add3A_184 = arith.constant 2 : i32
      %add3A_185 = arith.addi %mul3A_136, %add3A_184 : i32
      %add3A_186 = arith.constant 1 : i32
      %add3A_187 = arith.addi %add3A_185, %add3A_186 : i32
      %dma_start3A_188 = arith.constant 1 : i32
      %dma_start3A_189 = arith.constant 0 : i32
      %dma_start3A_190 = arith.constant 0 : i32
      %dma_start3A_191 = tpu.memref_slice %arg9[%dma_start3A_188, %dma_start3A_189, %dma_start3A_190] : memref<2x128x128xf32, #tpu.memory_space<vmem>> -> memref<1x128x128xf32, #tpu.memory_space<vmem>>
      %dma_start3A_192 = tpu.memref_squeeze %dma_start3A_191 : memref<1x128x128xf32, #tpu.memory_space<vmem>> -> memref<128x128xf32, #tpu.memory_space<vmem>>
      %dma_start3A_193 = arith.constant 0 : i32
      %dma_start3A_194 = tpu.memref_slice %arg7[%add3A_187, %dma_start3A_193] : memref<40x128xi32, #tpu.memory_space<vmem>> -> memref<1x128xi32, #tpu.memory_space<vmem>>
      %dma_start3A_195 = tpu.memref_squeeze %dma_start3A_194 : memref<1x128xi32, #tpu.memory_space<vmem>> -> memref<128xi32, #tpu.memory_space<vmem>>
      %dma_start3A_196 = arith.constant 0 : i32
      %dma_start3A_197 = arith.constant 0 : i32
      %dma_start3A_198 = tpu.memref_slice %arg2[%dma_start3A_196, %dma_start3A_197] : memref<5000x128xf32, #tpu.memory_space<hbm>> -> memref<5000x128xf32, #tpu.memory_space<hbm>>
      tpu.enqueue_indirect_dma source(%dma_start3A_198 : memref<5000x128xf32, #tpu.memory_space<hbm>>) target(%dma_start3A_192 : memref<128x128xf32, #tpu.memory_space<vmem>>) offsets(%dma_start3A_195 : memref<128xi32, #tpu.memory_space<vmem>>) semaphore(%arg12 : memref<!tpu.dma_semaphore, #tpu.memory_space<semaphore_mem>>)
    }
    %scan3A_36 = arith.constant 19 : i32
    %dma_wait3A = arith.constant 38 : i32
    %dma_wait3A_37 = arith.constant 0 : i32
    %dma_wait3A_38 = arith.constant 0 : i32
    %dma_wait3A_39 = arith.constant 0 : i32
    %dma_wait3A_40 = tpu.memref_slice %arg9[%dma_wait3A_37, %dma_wait3A_38, %dma_wait3A_39] : memref<2x128x128xf32, #tpu.memory_space<vmem>> -> memref<1x128x128xf32, #tpu.memory_space<vmem>>
    %dma_wait3A_41 = tpu.memref_squeeze %dma_wait3A_40 : memref<1x128x128xf32, #tpu.memory_space<vmem>> -> memref<128x128xf32, #tpu.memory_space<vmem>>
    %dma_wait3A_42 = arith.constant 0 : i32
    %dma_wait3A_43 = tpu.memref_slice %arg7[%dma_wait3A, %dma_wait3A_42] : memref<40x128xi32, #tpu.memory_space<vmem>> -> memref<1x128xi32, #tpu.memory_space<vmem>>
    %dma_wait3A_44 = tpu.memref_squeeze %dma_wait3A_43 : memref<1x128xi32, #tpu.memory_space<vmem>> -> memref<128xi32, #tpu.memory_space<vmem>>
    %dma_wait3A_45 = arith.constant 0 : i32
    %dma_wait3A_46 = arith.constant 0 : i32
    %dma_wait3A_47 = tpu.memref_slice %arg2[%dma_wait3A_45, %dma_wait3A_46] : memref<5000x128xf32, #tpu.memory_space<hbm>> -> memref<5000x128xf32, #tpu.memory_space<hbm>>
    tpu.wait_indirect_dma semaphore(%arg11 : memref<!tpu.dma_semaphore, #tpu.memory_space<semaphore_mem>>) src(%dma_wait3A_47 : memref<5000x128xf32, #tpu.memory_space<hbm>>) dst(%dma_wait3A_41 : memref<128x128xf32, #tpu.memory_space<vmem>>)
    %run_scoped3A = arith.constant 0 : i32
    %run_scoped3A_48 = arith.constant 38 : i32
    "tpu.region"() ({
      %run_scoped3A_130 = tpu.sem_alloc : memref<!tpu.dma_semaphore, #tpu.memory_space<semaphore_mem>>
      %dma_start3A_131 = arith.constant 0 : i32
      %dma_start3A_132 = arith.constant 0 : i32
      %dma_start3A_133 = tpu.memref_slice %arg9[%run_scoped3A, %dma_start3A_131, %dma_start3A_132] : memref<2x128x128xf32, #tpu.memory_space<vmem>> -> memref<1x128x128xf32, #tpu.memory_space<vmem>>
      %dma_start3A_134 = tpu.memref_squeeze %dma_start3A_133 : memref<1x128x128xf32, #tpu.memory_space<vmem>> -> memref<128x128xf32, #tpu.memory_space<vmem>>
      %dma_start3A_135 = arith.constant 0 : i32
      %dma_start3A_136 = tpu.memref_slice %arg8[%run_scoped3A_48, %dma_start3A_135] : memref<40x128xi32, #tpu.memory_space<vmem>> -> memref<1x128xi32, #tpu.memory_space<vmem>>
      %dma_start3A_137 = tpu.memref_squeeze %dma_start3A_136 : memref<1x128xi32, #tpu.memory_space<vmem>> -> memref<128xi32, #tpu.memory_space<vmem>>
      %dma_start3A_138 = arith.constant 0 : i32
      %dma_start3A_139 = arith.constant 0 : i32
      %dma_start3A_140 = tpu.memref_slice %arg10[%dma_start3A_138, %dma_start3A_139] : memref<10112x128xf32, #tpu.memory_space<vmem_shared>> -> memref<10112x128xf32, #tpu.memory_space<vmem_shared>>
      tpu.enqueue_indirect_dma source(%dma_start3A_134 : memref<128x128xf32, #tpu.memory_space<vmem>>) target(%dma_start3A_140 : memref<10112x128xf32, #tpu.memory_space<vmem_shared>>) offsets(%dma_start3A_137 : memref<128xi32, #tpu.memory_space<vmem>>) semaphore(%run_scoped3A_130 : memref<!tpu.dma_semaphore, #tpu.memory_space<semaphore_mem>>) {add = true}
      %dma_wait3A_141 = arith.constant 0 : i32
      %dma_wait3A_142 = arith.constant 0 : i32
      %dma_wait3A_143 = tpu.memref_slice %arg9[%run_scoped3A, %dma_wait3A_141, %dma_wait3A_142] : memref<2x128x128xf32, #tpu.memory_space<vmem>> -> memref<1x128x128xf32, #tpu.memory_space<vmem>>
      %dma_wait3A_144 = tpu.memref_squeeze %dma_wait3A_143 : memref<1x128x128xf32, #tpu.memory_space<vmem>> -> memref<128x128xf32, #tpu.memory_space<vmem>>
      %dma_wait3A_145 = arith.constant 0 : i32
      %dma_wait3A_146 = tpu.memref_slice %arg8[%run_scoped3A_48, %dma_wait3A_145] : memref<40x128xi32, #tpu.memory_space<vmem>> -> memref<1x128xi32, #tpu.memory_space<vmem>>
      %dma_wait3A_147 = tpu.memref_squeeze %dma_wait3A_146 : memref<1x128xi32, #tpu.memory_space<vmem>> -> memref<128xi32, #tpu.memory_space<vmem>>
      %dma_wait3A_148 = arith.constant 0 : i32
      %dma_wait3A_149 = arith.constant 0 : i32
      %dma_wait3A_150 = tpu.memref_slice %arg10[%dma_wait3A_148, %dma_wait3A_149] : memref<10112x128xf32, #tpu.memory_space<vmem_shared>> -> memref<10112x128xf32, #tpu.memory_space<vmem_shared>>
      tpu.wait_indirect_dma semaphore(%run_scoped3A_130 : memref<!tpu.dma_semaphore, #tpu.memory_space<semaphore_mem>>) src(%dma_wait3A_144 : memref<128x128xf32, #tpu.memory_space<vmem>>) dst(%dma_wait3A_150 : memref<10112x128xf32, #tpu.memory_space<vmem_shared>>)
      tpu.yield
    }) : () -> ()
    %dma_wait3A_49 = arith.constant 39 : i32
    %dma_wait3A_50 = arith.constant 1 : i32
    %dma_wait3A_51 = arith.constant 0 : i32
    %dma_wait3A_52 = arith.constant 0 : i32
    %dma_wait3A_53 = tpu.memref_slice %arg9[%dma_wait3A_50, %dma_wait3A_51, %dma_wait3A_52] : memref<2x128x128xf32, #tpu.memory_space<vmem>> -> memref<1x128x128xf32, #tpu.memory_space<vmem>>
    %dma_wait3A_54 = tpu.memref_squeeze %dma_wait3A_53 : memref<1x128x128xf32, #tpu.memory_space<vmem>> -> memref<128x128xf32, #tpu.memory_space<vmem>>
    %dma_wait3A_55 = arith.constant 0 : i32
    %dma_wait3A_56 = tpu.memref_slice %arg7[%dma_wait3A_49, %dma_wait3A_55] : memref<40x128xi32, #tpu.memory_space<vmem>> -> memref<1x128xi32, #tpu.memory_space<vmem>>
    %dma_wait3A_57 = tpu.memref_squeeze %dma_wait3A_56 : memref<1x128xi32, #tpu.memory_space<vmem>> -> memref<128xi32, #tpu.memory_space<vmem>>
    %dma_wait3A_58 = arith.constant 0 : i32
    %dma_wait3A_59 = arith.constant 0 : i32
    %dma_wait3A_60 = tpu.memref_slice %arg2[%dma_wait3A_58, %dma_wait3A_59] : memref<5000x128xf32, #tpu.memory_space<hbm>> -> memref<5000x128xf32, #tpu.memory_space<hbm>>
    tpu.wait_indirect_dma semaphore(%arg12 : memref<!tpu.dma_semaphore, #tpu.memory_space<semaphore_mem>>) src(%dma_wait3A_60 : memref<5000x128xf32, #tpu.memory_space<hbm>>) dst(%dma_wait3A_54 : memref<128x128xf32, #tpu.memory_space<vmem>>)
    %run_scoped3A_61 = arith.constant 1 : i32
    %run_scoped3A_62 = arith.constant 39 : i32
    "tpu.region"() ({
      %run_scoped3A_130 = tpu.sem_alloc : memref<!tpu.dma_semaphore, #tpu.memory_space<semaphore_mem>>
      %dma_start3A_131 = arith.constant 0 : i32
      %dma_start3A_132 = arith.constant 0 : i32
      %dma_start3A_133 = tpu.memref_slice %arg9[%run_scoped3A_61, %dma_start3A_131, %dma_start3A_132] : memref<2x128x128xf32, #tpu.memory_space<vmem>> -> memref<1x128x128xf32, #tpu.memory_space<vmem>>
      %dma_start3A_134 = tpu.memref_squeeze %dma_start3A_133 : memref<1x128x128xf32, #tpu.memory_space<vmem>> -> memref<128x128xf32, #tpu.memory_space<vmem>>
      %dma_start3A_135 = arith.constant 0 : i32
      %dma_start3A_136 = tpu.memref_slice %arg8[%run_scoped3A_62, %dma_start3A_135] : memref<40x128xi32, #tpu.memory_space<vmem>> -> memref<1x128xi32, #tpu.memory_space<vmem>>
      %dma_start3A_137 = tpu.memref_squeeze %dma_start3A_136 : memref<1x128xi32, #tpu.memory_space<vmem>> -> memref<128xi32, #tpu.memory_space<vmem>>
      %dma_start3A_138 = arith.constant 0 : i32
      %dma_start3A_139 = arith.constant 0 : i32
      %dma_start3A_140 = tpu.memref_slice %arg10[%dma_start3A_138, %dma_start3A_139] : memref<10112x128xf32, #tpu.memory_space<vmem_shared>> -> memref<10112x128xf32, #tpu.memory_space<vmem_shared>>
      tpu.enqueue_indirect_dma source(%dma_start3A_134 : memref<128x128xf32, #tpu.memory_space<vmem>>) target(%dma_start3A_140 : memref<10112x128xf32, #tpu.memory_space<vmem_shared>>) offsets(%dma_start3A_137 : memref<128xi32, #tpu.memory_space<vmem>>) semaphore(%run_scoped3A_130 : memref<!tpu.dma_semaphore, #tpu.memory_space<semaphore_mem>>) {add = true}
      %dma_wait3A_141 = arith.constant 0 : i32
      %dma_wait3A_142 = arith.constant 0 : i32
      %dma_wait3A_143 = tpu.memref_slice %arg9[%run_scoped3A_61, %dma_wait3A_141, %dma_wait3A_142] : memref<2x128x128xf32, #tpu.memory_space<vmem>> -> memref<1x128x128xf32, #tpu.memory_space<vmem>>
      %dma_wait3A_144 = tpu.memref_squeeze %dma_wait3A_143 : memref<1x128x128xf32, #tpu.memory_space<vmem>> -> memref<128x128xf32, #tpu.memory_space<vmem>>
      %dma_wait3A_145 = arith.constant 0 : i32
      %dma_wait3A_146 = tpu.memref_slice %arg8[%run_scoped3A_62, %dma_wait3A_145] : memref<40x128xi32, #tpu.memory_space<vmem>> -> memref<1x128xi32, #tpu.memory_space<vmem>>
      %dma_wait3A_147 = tpu.memref_squeeze %dma_wait3A_146 : memref<1x128xi32, #tpu.memory_space<vmem>> -> memref<128xi32, #tpu.memory_space<vmem>>
      %dma_wait3A_148 = arith.constant 0 : i32
      %dma_wait3A_149 = arith.constant 0 : i32
      %dma_wait3A_150 = tpu.memref_slice %arg10[%dma_wait3A_148, %dma_wait3A_149] : memref<10112x128xf32, #tpu.memory_space<vmem_shared>> -> memref<10112x128xf32, #tpu.memory_space<vmem_shared>>
      tpu.wait_indirect_dma semaphore(%run_scoped3A_130 : memref<!tpu.dma_semaphore, #tpu.memory_space<semaphore_mem>>) src(%dma_wait3A_144 : memref<128x128xf32, #tpu.memory_space<vmem>>) dst(%dma_wait3A_150 : memref<10112x128xf32, #tpu.memory_space<vmem_shared>>)
      tpu.yield
    }) : () -> ()
    %mul3A_63 = arith.constant 80 : i32
    %mul3A_64 = arith.muli %add3A, %mul3A_63 : i32
    %add3A_65 = arith.constant 40 : i32
    %add3A_66 = arith.addi %mul3A_64, %add3A_65 : i32
    "tpu.region"() ({
      %run_scoped3A_130 = tpu.sem_alloc : memref<!tpu.dma_semaphore, #tpu.memory_space<semaphore_mem>>
      %dma_start3A_131 = arith.constant 0 : i32
      %dma_start3A_132 = tpu.memref_slice %arg3[%add3A_66, %dma_start3A_131] : memref<2560x128xi32, #tpu.memory_space<hbm>> -> memref<40x128xi32, #tpu.memory_space<hbm>>
      %dma_start3A_133 = arith.constant 0 : i32
      %dma_start3A_134 = tpu.memref_slice %arg3[%add3A_66, %dma_start3A_133] : memref<2560x128xi32, #tpu.memory_space<hbm>> -> memref<40x128xi32, #tpu.memory_space<hbm>>
      tpu.enqueue_dma source(%dma_start3A_134 : memref<40x128xi32, #tpu.memory_space<hbm>>) target(%arg7 : memref<40x128xi32, #tpu.memory_space<vmem>>) target_semaphore(%run_scoped3A_130 : memref<!tpu.dma_semaphore, #tpu.memory_space<semaphore_mem>>)
      %dma_wait3A_135 = arith.constant 0 : i32
      %dma_wait3A_136 = tpu.memref_slice %arg3[%add3A_66, %dma_wait3A_135] : memref<2560x128xi32, #tpu.memory_space<hbm>> -> memref<40x128xi32, #tpu.memory_space<hbm>>
      %dma_wait3A_137 = arith.constant 0 : i32
      %dma_wait3A_138 = tpu.memref_slice %arg3[%add3A_66, %dma_wait3A_137] : memref<2560x128xi32, #tpu.memory_space<hbm>> -> memref<40x128xi32, #tpu.memory_space<hbm>>
      tpu.wait_dma2 semaphore(%run_scoped3A_130 : memref<!tpu.dma_semaphore, #tpu.memory_space<semaphore_mem>>) src(%dma_wait3A_138 : memref<40x128xi32, #tpu.memory_space<hbm>>) dst(%arg7 : memref<40x128xi32, #tpu.memory_space<vmem>>)
      tpu.yield
    }) : () -> ()
    "tpu.region"() ({
      %run_scoped3A_130 = tpu.sem_alloc : memref<!tpu.dma_semaphore, #tpu.memory_space<semaphore_mem>>
      %dma_start3A_131 = arith.constant 0 : i32
      %dma_start3A_132 = tpu.memref_slice %arg4[%add3A_66, %dma_start3A_131] : memref<2560x128xi32, #tpu.memory_space<hbm>> -> memref<40x128xi32, #tpu.memory_space<hbm>>
      %dma_start3A_133 = arith.constant 0 : i32
      %dma_start3A_134 = tpu.memref_slice %arg4[%add3A_66, %dma_start3A_133] : memref<2560x128xi32, #tpu.memory_space<hbm>> -> memref<40x128xi32, #tpu.memory_space<hbm>>
      tpu.enqueue_dma source(%dma_start3A_134 : memref<40x128xi32, #tpu.memory_space<hbm>>) target(%arg8 : memref<40x128xi32, #tpu.memory_space<vmem>>) target_semaphore(%run_scoped3A_130 : memref<!tpu.dma_semaphore, #tpu.memory_space<semaphore_mem>>)
      %dma_wait3A_135 = arith.constant 0 : i32
      %dma_wait3A_136 = tpu.memref_slice %arg4[%add3A_66, %dma_wait3A_135] : memref<2560x128xi32, #tpu.memory_space<hbm>> -> memref<40x128xi32, #tpu.memory_space<hbm>>
      %dma_wait3A_137 = arith.constant 0 : i32
      %dma_wait3A_138 = tpu.memref_slice %arg4[%add3A_66, %dma_wait3A_137] : memref<2560x128xi32, #tpu.memory_space<hbm>> -> memref<40x128xi32, #tpu.memory_space<hbm>>
      tpu.wait_dma2 semaphore(%run_scoped3A_130 : memref<!tpu.dma_semaphore, #tpu.memory_space<semaphore_mem>>) src(%dma_wait3A_138 : memref<40x128xi32, #tpu.memory_space<hbm>>) dst(%arg8 : memref<40x128xi32, #tpu.memory_space<vmem>>)
      tpu.yield
    }) : () -> ()
    %dma_start3A_67 = arith.constant 0 : i32
    %dma_start3A_68 = arith.constant 0 : i32
    %dma_start3A_69 = arith.constant 0 : i32
    %dma_start3A_70 = arith.constant 0 : i32
    %dma_start3A_71 = tpu.memref_slice %arg9[%dma_start3A_68, %dma_start3A_69, %dma_start3A_70] : memref<2x128x128xf32, #tpu.memory_space<vmem>> -> memref<1x128x128xf32, #tpu.memory_space<vmem>>
    %dma_start3A_72 = tpu.memref_squeeze %dma_start3A_71 : memref<1x128x128xf32, #tpu.memory_space<vmem>> -> memref<128x128xf32, #tpu.memory_space<vmem>>
    %dma_start3A_73 = arith.constant 0 : i32
    %dma_start3A_74 = tpu.memref_slice %arg7[%dma_start3A_67, %dma_start3A_73] : memref<40x128xi32, #tpu.memory_space<vmem>> -> memref<1x128xi32, #tpu.memory_space<vmem>>
    %dma_start3A_75 = tpu.memref_squeeze %dma_start3A_74 : memref<1x128xi32, #tpu.memory_space<vmem>> -> memref<128xi32, #tpu.memory_space<vmem>>
    %dma_start3A_76 = arith.constant 0 : i32
    %dma_start3A_77 = arith.constant 0 : i32
    %dma_start3A_78 = tpu.memref_slice %arg2[%dma_start3A_76, %dma_start3A_77] : memref<5000x128xf32, #tpu.memory_space<hbm>> -> memref<5000x128xf32, #tpu.memory_space<hbm>>
    tpu.enqueue_indirect_dma source(%dma_start3A_78 : memref<5000x128xf32, #tpu.memory_space<hbm>>) target(%dma_start3A_72 : memref<128x128xf32, #tpu.memory_space<vmem>>) offsets(%dma_start3A_75 : memref<128xi32, #tpu.memory_space<vmem>>) semaphore(%arg11 : memref<!tpu.dma_semaphore, #tpu.memory_space<semaphore_mem>>)
    %dma_start3A_79 = arith.constant 1 : i32
    %dma_start3A_80 = arith.constant 1 : i32
    %dma_start3A_81 = arith.constant 0 : i32
    %dma_start3A_82 = arith.constant 0 : i32
    %dma_start3A_83 = tpu.memref_slice %arg9[%dma_start3A_80, %dma_start3A_81, %dma_start3A_82] : memref<2x128x128xf32, #tpu.memory_space<vmem>> -> memref<1x128x128xf32, #tpu.memory_space<vmem>>
    %dma_start3A_84 = tpu.memref_squeeze %dma_start3A_83 : memref<1x128x128xf32, #tpu.memory_space<vmem>> -> memref<128x128xf32, #tpu.memory_space<vmem>>
    %dma_start3A_85 = arith.constant 0 : i32
    %dma_start3A_86 = tpu.memref_slice %arg7[%dma_start3A_79, %dma_start3A_85] : memref<40x128xi32, #tpu.memory_space<vmem>> -> memref<1x128xi32, #tpu.memory_space<vmem>>
    %dma_start3A_87 = tpu.memref_squeeze %dma_start3A_86 : memref<1x128xi32, #tpu.memory_space<vmem>> -> memref<128xi32, #tpu.memory_space<vmem>>
    %dma_start3A_88 = arith.constant 0 : i32
    %dma_start3A_89 = arith.constant 0 : i32
    %dma_start3A_90 = tpu.memref_slice %arg2[%dma_start3A_88, %dma_start3A_89] : memref<5000x128xf32, #tpu.memory_space<hbm>> -> memref<5000x128xf32, #tpu.memory_space<hbm>>
    tpu.enqueue_indirect_dma source(%dma_start3A_90 : memref<5000x128xf32, #tpu.memory_space<hbm>>) target(%dma_start3A_84 : memref<128x128xf32, #tpu.memory_space<vmem>>) offsets(%dma_start3A_87 : memref<128xi32, #tpu.memory_space<vmem>>) semaphore(%arg12 : memref<!tpu.dma_semaphore, #tpu.memory_space<semaphore_mem>>)
    %scan3A_91 = arith.constant 0 : i32
    %scan3A_92 = arith.constant 19 : i32
    %scan3A_93 = arith.addi %scan3A_91, %scan3A_92 : i32
    %scan3A_94 = arith.constant 1 : i32
    scf.for %scan3A_130 = %scan3A_91 to %scan3A_93 step %scan3A_94  : i32 {
      %mul3A_131 = arith.constant 1 : i32
      %mul3A_132 = arith.muli %scan3A_130, %mul3A_131 : i32
      %add3A_133 = arith.constant 0 : i32
      %add3A_134 = arith.addi %add3A_133, %mul3A_132 : i32
      %mul3A_135 = arith.constant 2 : i32
      %mul3A_136 = arith.muli %mul3A_135, %add3A_134 : i32
      %add3A_137 = arith.constant 0 : i32
      %add3A_138 = arith.addi %mul3A_136, %add3A_137 : i32
      %dma_wait3A_139 = arith.constant 0 : i32
      %dma_wait3A_140 = arith.constant 0 : i32
      %dma_wait3A_141 = arith.constant 0 : i32
      %dma_wait3A_142 = tpu.memref_slice %arg9[%dma_wait3A_139, %dma_wait3A_140, %dma_wait3A_141] : memref<2x128x128xf32, #tpu.memory_space<vmem>> -> memref<1x128x128xf32, #tpu.memory_space<vmem>>
      %dma_wait3A_143 = tpu.memref_squeeze %dma_wait3A_142 : memref<1x128x128xf32, #tpu.memory_space<vmem>> -> memref<128x128xf32, #tpu.memory_space<vmem>>
      %dma_wait3A_144 = arith.constant 0 : i32
      %dma_wait3A_145 = tpu.memref_slice %arg7[%add3A_138, %dma_wait3A_144] : memref<40x128xi32, #tpu.memory_space<vmem>> -> memref<1x128xi32, #tpu.memory_space<vmem>>
      %dma_wait3A_146 = tpu.memref_squeeze %dma_wait3A_145 : memref<1x128xi32, #tpu.memory_space<vmem>> -> memref<128xi32, #tpu.memory_space<vmem>>
      %dma_wait3A_147 = arith.constant 0 : i32
      %dma_wait3A_148 = arith.constant 0 : i32
      %dma_wait3A_149 = tpu.memref_slice %arg2[%dma_wait3A_147, %dma_wait3A_148] : memref<5000x128xf32, #tpu.memory_space<hbm>> -> memref<5000x128xf32, #tpu.memory_space<hbm>>
      tpu.wait_indirect_dma semaphore(%arg11 : memref<!tpu.dma_semaphore, #tpu.memory_space<semaphore_mem>>) src(%dma_wait3A_149 : memref<5000x128xf32, #tpu.memory_space<hbm>>) dst(%dma_wait3A_143 : memref<128x128xf32, #tpu.memory_space<vmem>>)
      %add3A_150 = arith.constant 0 : i32
      %add3A_151 = arith.addi %mul3A_136, %add3A_150 : i32
      %run_scoped3A_152 = arith.constant 0 : i32
      "tpu.region"() ({
        %run_scoped3A_199 = tpu.sem_alloc : memref<!tpu.dma_semaphore, #tpu.memory_space<semaphore_mem>>
        %dma_start3A_200 = arith.constant 0 : i32
        %dma_start3A_201 = arith.constant 0 : i32
        %dma_start3A_202 = tpu.memref_slice %arg9[%run_scoped3A_152, %dma_start3A_200, %dma_start3A_201] : memref<2x128x128xf32, #tpu.memory_space<vmem>> -> memref<1x128x128xf32, #tpu.memory_space<vmem>>
        %dma_start3A_203 = tpu.memref_squeeze %dma_start3A_202 : memref<1x128x128xf32, #tpu.memory_space<vmem>> -> memref<128x128xf32, #tpu.memory_space<vmem>>
        %dma_start3A_204 = arith.constant 0 : i32
        %dma_start3A_205 = tpu.memref_slice %arg8[%add3A_151, %dma_start3A_204] : memref<40x128xi32, #tpu.memory_space<vmem>> -> memref<1x128xi32, #tpu.memory_space<vmem>>
        %dma_start3A_206 = tpu.memref_squeeze %dma_start3A_205 : memref<1x128xi32, #tpu.memory_space<vmem>> -> memref<128xi32, #tpu.memory_space<vmem>>
        %dma_start3A_207 = arith.constant 0 : i32
        %dma_start3A_208 = arith.constant 0 : i32
        %dma_start3A_209 = tpu.memref_slice %arg10[%dma_start3A_207, %dma_start3A_208] : memref<10112x128xf32, #tpu.memory_space<vmem_shared>> -> memref<10112x128xf32, #tpu.memory_space<vmem_shared>>
        tpu.enqueue_indirect_dma source(%dma_start3A_203 : memref<128x128xf32, #tpu.memory_space<vmem>>) target(%dma_start3A_209 : memref<10112x128xf32, #tpu.memory_space<vmem_shared>>) offsets(%dma_start3A_206 : memref<128xi32, #tpu.memory_space<vmem>>) semaphore(%run_scoped3A_199 : memref<!tpu.dma_semaphore, #tpu.memory_space<semaphore_mem>>) {add = true}
        %dma_wait3A_210 = arith.constant 0 : i32
        %dma_wait3A_211 = arith.constant 0 : i32
        %dma_wait3A_212 = tpu.memref_slice %arg9[%run_scoped3A_152, %dma_wait3A_210, %dma_wait3A_211] : memref<2x128x128xf32, #tpu.memory_space<vmem>> -> memref<1x128x128xf32, #tpu.memory_space<vmem>>
        %dma_wait3A_213 = tpu.memref_squeeze %dma_wait3A_212 : memref<1x128x128xf32, #tpu.memory_space<vmem>> -> memref<128x128xf32, #tpu.memory_space<vmem>>
        %dma_wait3A_214 = arith.constant 0 : i32
        %dma_wait3A_215 = tpu.memref_slice %arg8[%add3A_151, %dma_wait3A_214] : memref<40x128xi32, #tpu.memory_space<vmem>> -> memref<1x128xi32, #tpu.memory_space<vmem>>
        %dma_wait3A_216 = tpu.memref_squeeze %dma_wait3A_215 : memref<1x128xi32, #tpu.memory_space<vmem>> -> memref<128xi32, #tpu.memory_space<vmem>>
        %dma_wait3A_217 = arith.constant 0 : i32
        %dma_wait3A_218 = arith.constant 0 : i32
        %dma_wait3A_219 = tpu.memref_slice %arg10[%dma_wait3A_217, %dma_wait3A_218] : memref<10112x128xf32, #tpu.memory_space<vmem_shared>> -> memref<10112x128xf32, #tpu.memory_space<vmem_shared>>
        tpu.wait_indirect_dma semaphore(%run_scoped3A_199 : memref<!tpu.dma_semaphore, #tpu.memory_space<semaphore_mem>>) src(%dma_wait3A_213 : memref<128x128xf32, #tpu.memory_space<vmem>>) dst(%dma_wait3A_219 : memref<10112x128xf32, #tpu.memory_space<vmem_shared>>)
        tpu.yield
      }) : () -> ()
      %add3A_153 = arith.constant 2 : i32
      %add3A_154 = arith.addi %mul3A_136, %add3A_153 : i32
      %add3A_155 = arith.constant 0 : i32
      %add3A_156 = arith.addi %add3A_154, %add3A_155 : i32
      %dma_start3A_157 = arith.constant 0 : i32
      %dma_start3A_158 = arith.constant 0 : i32
      %dma_start3A_159 = arith.constant 0 : i32
      %dma_start3A_160 = tpu.memref_slice %arg9[%dma_start3A_157, %dma_start3A_158, %dma_start3A_159] : memref<2x128x128xf32, #tpu.memory_space<vmem>> -> memref<1x128x128xf32, #tpu.memory_space<vmem>>
      %dma_start3A_161 = tpu.memref_squeeze %dma_start3A_160 : memref<1x128x128xf32, #tpu.memory_space<vmem>> -> memref<128x128xf32, #tpu.memory_space<vmem>>
      %dma_start3A_162 = arith.constant 0 : i32
      %dma_start3A_163 = tpu.memref_slice %arg7[%add3A_156, %dma_start3A_162] : memref<40x128xi32, #tpu.memory_space<vmem>> -> memref<1x128xi32, #tpu.memory_space<vmem>>
      %dma_start3A_164 = tpu.memref_squeeze %dma_start3A_163 : memref<1x128xi32, #tpu.memory_space<vmem>> -> memref<128xi32, #tpu.memory_space<vmem>>
      %dma_start3A_165 = arith.constant 0 : i32
      %dma_start3A_166 = arith.constant 0 : i32
      %dma_start3A_167 = tpu.memref_slice %arg2[%dma_start3A_165, %dma_start3A_166] : memref<5000x128xf32, #tpu.memory_space<hbm>> -> memref<5000x128xf32, #tpu.memory_space<hbm>>
      tpu.enqueue_indirect_dma source(%dma_start3A_167 : memref<5000x128xf32, #tpu.memory_space<hbm>>) target(%dma_start3A_161 : memref<128x128xf32, #tpu.memory_space<vmem>>) offsets(%dma_start3A_164 : memref<128xi32, #tpu.memory_space<vmem>>) semaphore(%arg11 : memref<!tpu.dma_semaphore, #tpu.memory_space<semaphore_mem>>)
      %add3A_168 = arith.constant 1 : i32
      %add3A_169 = arith.addi %mul3A_136, %add3A_168 : i32
      %dma_wait3A_170 = arith.constant 1 : i32
      %dma_wait3A_171 = arith.constant 0 : i32
      %dma_wait3A_172 = arith.constant 0 : i32
      %dma_wait3A_173 = tpu.memref_slice %arg9[%dma_wait3A_170, %dma_wait3A_171, %dma_wait3A_172] : memref<2x128x128xf32, #tpu.memory_space<vmem>> -> memref<1x128x128xf32, #tpu.memory_space<vmem>>
      %dma_wait3A_174 = tpu.memref_squeeze %dma_wait3A_173 : memref<1x128x128xf32, #tpu.memory_space<vmem>> -> memref<128x128xf32, #tpu.memory_space<vmem>>
      %dma_wait3A_175 = arith.constant 0 : i32
      %dma_wait3A_176 = tpu.memref_slice %arg7[%add3A_169, %dma_wait3A_175] : memref<40x128xi32, #tpu.memory_space<vmem>> -> memref<1x128xi32, #tpu.memory_space<vmem>>
      %dma_wait3A_177 = tpu.memref_squeeze %dma_wait3A_176 : memref<1x128xi32, #tpu.memory_space<vmem>> -> memref<128xi32, #tpu.memory_space<vmem>>
      %dma_wait3A_178 = arith.constant 0 : i32
      %dma_wait3A_179 = arith.constant 0 : i32
      %dma_wait3A_180 = tpu.memref_slice %arg2[%dma_wait3A_178, %dma_wait3A_179] : memref<5000x128xf32, #tpu.memory_space<hbm>> -> memref<5000x128xf32, #tpu.memory_space<hbm>>
      tpu.wait_indirect_dma semaphore(%arg12 : memref<!tpu.dma_semaphore, #tpu.memory_space<semaphore_mem>>) src(%dma_wait3A_180 : memref<5000x128xf32, #tpu.memory_space<hbm>>) dst(%dma_wait3A_174 : memref<128x128xf32, #tpu.memory_space<vmem>>)
      %add3A_181 = arith.constant 1 : i32
      %add3A_182 = arith.addi %mul3A_136, %add3A_181 : i32
      %run_scoped3A_183 = arith.constant 1 : i32
      "tpu.region"() ({
        %run_scoped3A_199 = tpu.sem_alloc : memref<!tpu.dma_semaphore, #tpu.memory_space<semaphore_mem>>
        %dma_start3A_200 = arith.constant 0 : i32
        %dma_start3A_201 = arith.constant 0 : i32
        %dma_start3A_202 = tpu.memref_slice %arg9[%run_scoped3A_183, %dma_start3A_200, %dma_start3A_201] : memref<2x128x128xf32, #tpu.memory_space<vmem>> -> memref<1x128x128xf32, #tpu.memory_space<vmem>>
        %dma_start3A_203 = tpu.memref_squeeze %dma_start3A_202 : memref<1x128x128xf32, #tpu.memory_space<vmem>> -> memref<128x128xf32, #tpu.memory_space<vmem>>
        %dma_start3A_204 = arith.constant 0 : i32
        %dma_start3A_205 = tpu.memref_slice %arg8[%add3A_182, %dma_start3A_204] : memref<40x128xi32, #tpu.memory_space<vmem>> -> memref<1x128xi32, #tpu.memory_space<vmem>>
        %dma_start3A_206 = tpu.memref_squeeze %dma_start3A_205 : memref<1x128xi32, #tpu.memory_space<vmem>> -> memref<128xi32, #tpu.memory_space<vmem>>
        %dma_start3A_207 = arith.constant 0 : i32
        %dma_start3A_208 = arith.constant 0 : i32
        %dma_start3A_209 = tpu.memref_slice %arg10[%dma_start3A_207, %dma_start3A_208] : memref<10112x128xf32, #tpu.memory_space<vmem_shared>> -> memref<10112x128xf32, #tpu.memory_space<vmem_shared>>
        tpu.enqueue_indirect_dma source(%dma_start3A_203 : memref<128x128xf32, #tpu.memory_space<vmem>>) target(%dma_start3A_209 : memref<10112x128xf32, #tpu.memory_space<vmem_shared>>) offsets(%dma_start3A_206 : memref<128xi32, #tpu.memory_space<vmem>>) semaphore(%run_scoped3A_199 : memref<!tpu.dma_semaphore, #tpu.memory_space<semaphore_mem>>) {add = true}
        %dma_wait3A_210 = arith.constant 0 : i32
        %dma_wait3A_211 = arith.constant 0 : i32
        %dma_wait3A_212 = tpu.memref_slice %arg9[%run_scoped3A_183, %dma_wait3A_210, %dma_wait3A_211] : memref<2x128x128xf32, #tpu.memory_space<vmem>> -> memref<1x128x128xf32, #tpu.memory_space<vmem>>
        %dma_wait3A_213 = tpu.memref_squeeze %dma_wait3A_212 : memref<1x128x128xf32, #tpu.memory_space<vmem>> -> memref<128x128xf32, #tpu.memory_space<vmem>>
        %dma_wait3A_214 = arith.constant 0 : i32
        %dma_wait3A_215 = tpu.memref_slice %arg8[%add3A_182, %dma_wait3A_214] : memref<40x128xi32, #tpu.memory_space<vmem>> -> memref<1x128xi32, #tpu.memory_space<vmem>>
        %dma_wait3A_216 = tpu.memref_squeeze %dma_wait3A_215 : memref<1x128xi32, #tpu.memory_space<vmem>> -> memref<128xi32, #tpu.memory_space<vmem>>
        %dma_wait3A_217 = arith.constant 0 : i32
        %dma_wait3A_218 = arith.constant 0 : i32
        %dma_wait3A_219 = tpu.memref_slice %arg10[%dma_wait3A_217, %dma_wait3A_218] : memref<10112x128xf32, #tpu.memory_space<vmem_shared>> -> memref<10112x128xf32, #tpu.memory_space<vmem_shared>>
        tpu.wait_indirect_dma semaphore(%run_scoped3A_199 : memref<!tpu.dma_semaphore, #tpu.memory_space<semaphore_mem>>) src(%dma_wait3A_213 : memref<128x128xf32, #tpu.memory_space<vmem>>) dst(%dma_wait3A_219 : memref<10112x128xf32, #tpu.memory_space<vmem_shared>>)
        tpu.yield
      }) : () -> ()
      %add3A_184 = arith.constant 2 : i32
      %add3A_185 = arith.addi %mul3A_136, %add3A_184 : i32
      %add3A_186 = arith.constant 1 : i32
      %add3A_187 = arith.addi %add3A_185, %add3A_186 : i32
      %dma_start3A_188 = arith.constant 1 : i32
      %dma_start3A_189 = arith.constant 0 : i32
      %dma_start3A_190 = arith.constant 0 : i32
      %dma_start3A_191 = tpu.memref_slice %arg9[%dma_start3A_188, %dma_start3A_189, %dma_start3A_190] : memref<2x128x128xf32, #tpu.memory_space<vmem>> -> memref<1x128x128xf32, #tpu.memory_space<vmem>>
      %dma_start3A_192 = tpu.memref_squeeze %dma_start3A_191 : memref<1x128x128xf32, #tpu.memory_space<vmem>> -> memref<128x128xf32, #tpu.memory_space<vmem>>
      %dma_start3A_193 = arith.constant 0 : i32
      %dma_start3A_194 = tpu.memref_slice %arg7[%add3A_187, %dma_start3A_193] : memref<40x128xi32, #tpu.memory_space<vmem>> -> memref<1x128xi32, #tpu.memory_space<vmem>>
      %dma_start3A_195 = tpu.memref_squeeze %dma_start3A_194 : memref<1x128xi32, #tpu.memory_space<vmem>> -> memref<128xi32, #tpu.memory_space<vmem>>
      %dma_start3A_196 = arith.constant 0 : i32
      %dma_start3A_197 = arith.constant 0 : i32
      %dma_start3A_198 = tpu.memref_slice %arg2[%dma_start3A_196, %dma_start3A_197] : memref<5000x128xf32, #tpu.memory_space<hbm>> -> memref<5000x128xf32, #tpu.memory_space<hbm>>
      tpu.enqueue_indirect_dma source(%dma_start3A_198 : memref<5000x128xf32, #tpu.memory_space<hbm>>) target(%dma_start3A_192 : memref<128x128xf32, #tpu.memory_space<vmem>>) offsets(%dma_start3A_195 : memref<128xi32, #tpu.memory_space<vmem>>) semaphore(%arg12 : memref<!tpu.dma_semaphore, #tpu.memory_space<semaphore_mem>>)
    }
    %scan3A_95 = arith.constant 19 : i32
    %dma_wait3A_96 = arith.constant 38 : i32
    %dma_wait3A_97 = arith.constant 0 : i32
    %dma_wait3A_98 = arith.constant 0 : i32
    %dma_wait3A_99 = arith.constant 0 : i32
    %dma_wait3A_100 = tpu.memref_slice %arg9[%dma_wait3A_97, %dma_wait3A_98, %dma_wait3A_99] : memref<2x128x128xf32, #tpu.memory_space<vmem>> -> memref<1x128x128xf32, #tpu.memory_space<vmem>>
    %dma_wait3A_101 = tpu.memref_squeeze %dma_wait3A_100 : memref<1x128x128xf32, #tpu.memory_space<vmem>> -> memref<128x128xf32, #tpu.memory_space<vmem>>
    %dma_wait3A_102 = arith.constant 0 : i32
    %dma_wait3A_103 = tpu.memref_slice %arg7[%dma_wait3A_96, %dma_wait3A_102] : memref<40x128xi32, #tpu.memory_space<vmem>> -> memref<1x128xi32, #tpu.memory_space<vmem>>
    %dma_wait3A_104 = tpu.memref_squeeze %dma_wait3A_103 : memref<1x128xi32, #tpu.memory_space<vmem>> -> memref<128xi32, #tpu.memory_space<vmem>>
    %dma_wait3A_105 = arith.constant 0 : i32
    %dma_wait3A_106 = arith.constant 0 : i32
    %dma_wait3A_107 = tpu.memref_slice %arg2[%dma_wait3A_105, %dma_wait3A_106] : memref<5000x128xf32, #tpu.memory_space<hbm>> -> memref<5000x128xf32, #tpu.memory_space<hbm>>
    tpu.wait_indirect_dma semaphore(%arg11 : memref<!tpu.dma_semaphore, #tpu.memory_space<semaphore_mem>>) src(%dma_wait3A_107 : memref<5000x128xf32, #tpu.memory_space<hbm>>) dst(%dma_wait3A_101 : memref<128x128xf32, #tpu.memory_space<vmem>>)
    %run_scoped3A_108 = arith.constant 0 : i32
    %run_scoped3A_109 = arith.constant 38 : i32
    "tpu.region"() ({
      %run_scoped3A_130 = tpu.sem_alloc : memref<!tpu.dma_semaphore, #tpu.memory_space<semaphore_mem>>
      %dma_start3A_131 = arith.constant 0 : i32
      %dma_start3A_132 = arith.constant 0 : i32
      %dma_start3A_133 = tpu.memref_slice %arg9[%run_scoped3A_108, %dma_start3A_131, %dma_start3A_132] : memref<2x128x128xf32, #tpu.memory_space<vmem>> -> memref<1x128x128xf32, #tpu.memory_space<vmem>>
      %dma_start3A_134 = tpu.memref_squeeze %dma_start3A_133 : memref<1x128x128xf32, #tpu.memory_space<vmem>> -> memref<128x128xf32, #tpu.memory_space<vmem>>
      %dma_start3A_135 = arith.constant 0 : i32
      %dma_start3A_136 = tpu.memref_slice %arg8[%run_scoped3A_109, %dma_start3A_135] : memref<40x128xi32, #tpu.memory_space<vmem>> -> memref<1x128xi32, #tpu.memory_space<vmem>>
      %dma_start3A_137 = tpu.memref_squeeze %dma_start3A_136 : memref<1x128xi32, #tpu.memory_space<vmem>> -> memref<128xi32, #tpu.memory_space<vmem>>
      %dma_start3A_138 = arith.constant 0 : i32
      %dma_start3A_139 = arith.constant 0 : i32
      %dma_start3A_140 = tpu.memref_slice %arg10[%dma_start3A_138, %dma_start3A_139] : memref<10112x128xf32, #tpu.memory_space<vmem_shared>> -> memref<10112x128xf32, #tpu.memory_space<vmem_shared>>
      tpu.enqueue_indirect_dma source(%dma_start3A_134 : memref<128x128xf32, #tpu.memory_space<vmem>>) target(%dma_start3A_140 : memref<10112x128xf32, #tpu.memory_space<vmem_shared>>) offsets(%dma_start3A_137 : memref<128xi32, #tpu.memory_space<vmem>>) semaphore(%run_scoped3A_130 : memref<!tpu.dma_semaphore, #tpu.memory_space<semaphore_mem>>) {add = true}
      %dma_wait3A_141 = arith.constant 0 : i32
      %dma_wait3A_142 = arith.constant 0 : i32
      %dma_wait3A_143 = tpu.memref_slice %arg9[%run_scoped3A_108, %dma_wait3A_141, %dma_wait3A_142] : memref<2x128x128xf32, #tpu.memory_space<vmem>> -> memref<1x128x128xf32, #tpu.memory_space<vmem>>
      %dma_wait3A_144 = tpu.memref_squeeze %dma_wait3A_143 : memref<1x128x128xf32, #tpu.memory_space<vmem>> -> memref<128x128xf32, #tpu.memory_space<vmem>>
      %dma_wait3A_145 = arith.constant 0 : i32
      %dma_wait3A_146 = tpu.memref_slice %arg8[%run_scoped3A_109, %dma_wait3A_145] : memref<40x128xi32, #tpu.memory_space<vmem>> -> memref<1x128xi32, #tpu.memory_space<vmem>>
      %dma_wait3A_147 = tpu.memref_squeeze %dma_wait3A_146 : memref<1x128xi32, #tpu.memory_space<vmem>> -> memref<128xi32, #tpu.memory_space<vmem>>
      %dma_wait3A_148 = arith.constant 0 : i32
      %dma_wait3A_149 = arith.constant 0 : i32
      %dma_wait3A_150 = tpu.memref_slice %arg10[%dma_wait3A_148, %dma_wait3A_149] : memref<10112x128xf32, #tpu.memory_space<vmem_shared>> -> memref<10112x128xf32, #tpu.memory_space<vmem_shared>>
      tpu.wait_indirect_dma semaphore(%run_scoped3A_130 : memref<!tpu.dma_semaphore, #tpu.memory_space<semaphore_mem>>) src(%dma_wait3A_144 : memref<128x128xf32, #tpu.memory_space<vmem>>) dst(%dma_wait3A_150 : memref<10112x128xf32, #tpu.memory_space<vmem_shared>>)
      tpu.yield
    }) : () -> ()
    %dma_wait3A_110 = arith.constant 39 : i32
    %dma_wait3A_111 = arith.constant 1 : i32
    %dma_wait3A_112 = arith.constant 0 : i32
    %dma_wait3A_113 = arith.constant 0 : i32
    %dma_wait3A_114 = tpu.memref_slice %arg9[%dma_wait3A_111, %dma_wait3A_112, %dma_wait3A_113] : memref<2x128x128xf32, #tpu.memory_space<vmem>> -> memref<1x128x128xf32, #tpu.memory_space<vmem>>
    %dma_wait3A_115 = tpu.memref_squeeze %dma_wait3A_114 : memref<1x128x128xf32, #tpu.memory_space<vmem>> -> memref<128x128xf32, #tpu.memory_space<vmem>>
    %dma_wait3A_116 = arith.constant 0 : i32
    %dma_wait3A_117 = tpu.memref_slice %arg7[%dma_wait3A_110, %dma_wait3A_116] : memref<40x128xi32, #tpu.memory_space<vmem>> -> memref<1x128xi32, #tpu.memory_space<vmem>>
    %dma_wait3A_118 = tpu.memref_squeeze %dma_wait3A_117 : memref<1x128xi32, #tpu.memory_space<vmem>> -> memref<128xi32, #tpu.memory_space<vmem>>
    %dma_wait3A_119 = arith.constant 0 : i32
    %dma_wait3A_120 = arith.constant 0 : i32
    %dma_wait3A_121 = tpu.memref_slice %arg2[%dma_wait3A_119, %dma_wait3A_120] : memref<5000x128xf32, #tpu.memory_space<hbm>> -> memref<5000x128xf32, #tpu.memory_space<hbm>>
    tpu.wait_indirect_dma semaphore(%arg12 : memref<!tpu.dma_semaphore, #tpu.memory_space<semaphore_mem>>) src(%dma_wait3A_121 : memref<5000x128xf32, #tpu.memory_space<hbm>>) dst(%dma_wait3A_115 : memref<128x128xf32, #tpu.memory_space<vmem>>)
    %run_scoped3A_122 = arith.constant 1 : i32
    %run_scoped3A_123 = arith.constant 39 : i32
    "tpu.region"() ({
      %run_scoped3A_130 = tpu.sem_alloc : memref<!tpu.dma_semaphore, #tpu.memory_space<semaphore_mem>>
      %dma_start3A_131 = arith.constant 0 : i32
      %dma_start3A_132 = arith.constant 0 : i32
      %dma_start3A_133 = tpu.memref_slice %arg9[%run_scoped3A_122, %dma_start3A_131, %dma_start3A_132] : memref<2x128x128xf32, #tpu.memory_space<vmem>> -> memref<1x128x128xf32, #tpu.memory_space<vmem>>
      %dma_start3A_134 = tpu.memref_squeeze %dma_start3A_133 : memref<1x128x128xf32, #tpu.memory_space<vmem>> -> memref<128x128xf32, #tpu.memory_space<vmem>>
      %dma_start3A_135 = arith.constant 0 : i32
      %dma_start3A_136 = tpu.memref_slice %arg8[%run_scoped3A_123, %dma_start3A_135] : memref<40x128xi32, #tpu.memory_space<vmem>> -> memref<1x128xi32, #tpu.memory_space<vmem>>
      %dma_start3A_137 = tpu.memref_squeeze %dma_start3A_136 : memref<1x128xi32, #tpu.memory_space<vmem>> -> memref<128xi32, #tpu.memory_space<vmem>>
      %dma_start3A_138 = arith.constant 0 : i32
      %dma_start3A_139 = arith.constant 0 : i32
      %dma_start3A_140 = tpu.memref_slice %arg10[%dma_start3A_138, %dma_start3A_139] : memref<10112x128xf32, #tpu.memory_space<vmem_shared>> -> memref<10112x128xf32, #tpu.memory_space<vmem_shared>>
      tpu.enqueue_indirect_dma source(%dma_start3A_134 : memref<128x128xf32, #tpu.memory_space<vmem>>) target(%dma_start3A_140 : memref<10112x128xf32, #tpu.memory_space<vmem_shared>>) offsets(%dma_start3A_137 : memref<128xi32, #tpu.memory_space<vmem>>) semaphore(%run_scoped3A_130 : memref<!tpu.dma_semaphore, #tpu.memory_space<semaphore_mem>>) {add = true}
      %dma_wait3A_141 = arith.constant 0 : i32
      %dma_wait3A_142 = arith.constant 0 : i32
      %dma_wait3A_143 = tpu.memref_slice %arg9[%run_scoped3A_122, %dma_wait3A_141, %dma_wait3A_142] : memref<2x128x128xf32, #tpu.memory_space<vmem>> -> memref<1x128x128xf32, #tpu.memory_space<vmem>>
      %dma_wait3A_144 = tpu.memref_squeeze %dma_wait3A_143 : memref<1x128x128xf32, #tpu.memory_space<vmem>> -> memref<128x128xf32, #tpu.memory_space<vmem>>
      %dma_wait3A_145 = arith.constant 0 : i32
      %dma_wait3A_146 = tpu.memref_slice %arg8[%run_scoped3A_123, %dma_wait3A_145] : memref<40x128xi32, #tpu.memory_space<vmem>> -> memref<1x128xi32, #tpu.memory_space<vmem>>
      %dma_wait3A_147 = tpu.memref_squeeze %dma_wait3A_146 : memref<1x128xi32, #tpu.memory_space<vmem>> -> memref<128xi32, #tpu.memory_space<vmem>>
      %dma_wait3A_148 = arith.constant 0 : i32
      %dma_wait3A_149 = arith.constant 0 : i32
      %dma_wait3A_150 = tpu.memref_slice %arg10[%dma_wait3A_148, %dma_wait3A_149] : memref<10112x128xf32, #tpu.memory_space<vmem_shared>> -> memref<10112x128xf32, #tpu.memory_space<vmem_shared>>
      tpu.wait_indirect_dma semaphore(%run_scoped3A_130 : memref<!tpu.dma_semaphore, #tpu.memory_space<semaphore_mem>>) src(%dma_wait3A_144 : memref<128x128xf32, #tpu.memory_space<vmem>>) dst(%dma_wait3A_150 : memref<10112x128xf32, #tpu.memory_space<vmem_shared>>)
      tpu.yield
    }) : () -> ()
    %barrier3A_124 = arith.constant 0 : index
    tpu.barrier barrier_id(%barrier3A_124)
    %scan3A_125 = arith.constant 0 : i32
    %scan3A_126 = arith.constant 5 : i32
    %scan3A_127 = arith.addi %scan3A_125, %scan3A_126 : i32
    %scan3A_128 = arith.constant 1 : i32
    scf.for %scan3A_130 = %scan3A_125 to %scan3A_127 step %scan3A_128  : i32 {
      %mul3A_131 = arith.constant 1 : i32
      %mul3A_132 = arith.muli %scan3A_130, %mul3A_131 : i32
      %add3A_133 = arith.constant 0 : i32
      %add3A_134 = arith.addi %add3A_133, %mul3A_132 : i32
      %mul3A_135 = arith.constant 16 : i32
      %mul3A_136 = arith.muli %add3A_134, %mul3A_135 : i32
      %add3A_137 = arith.addi %mul3A_136, %arg1 : i32
      %lt3A = arith.constant 79 : i32
      %lt3A_138 = arith.cmpi slt, %add3A_137, %lt3A : i32
      %convert_element_type3A = arith.extui %lt3A_138 : i1 to i32
      %cond3A = arith.constant 0 : i32
      %cond3A_139 = arith.cmpi ne, %convert_element_type3A, %cond3A : i32
      scf.if %cond3A_139 {
        %mul3A_140 = arith.constant 128 : i32
        %mul3A_141 = arith.muli %add3A_137, %mul3A_140 : i32
        %mul3A_142 = arith.constant 10112 : i32
        %mul3A_143 = arith.muli %arg0, %mul3A_142 : i32
        %mul3A_144 = arith.constant 128 : i32
        %mul3A_145 = arith.muli %add3A_137, %mul3A_144 : i32
        %add3A_146 = arith.addi %mul3A_143, %mul3A_145 : i32
        "tpu.region"() ({
          %run_scoped3A_147 = tpu.sem_alloc : memref<!tpu.dma_semaphore, #tpu.memory_space<semaphore_mem>>
          %dma_start3A_148 = arith.constant 0 : i32
          %dma_start3A_149 = tpu.memref_slice %arg6[%add3A_146, %dma_start3A_148] : memref<20224x128xf32, #tpu.memory_space<hbm>> -> memref<128x128xf32, #tpu.memory_space<hbm>>
          %dma_start3A_150 = arith.constant 0 : i32
          %dma_start3A_151 = tpu.memref_slice %arg10[%mul3A_141, %dma_start3A_150] : memref<10112x128xf32, #tpu.memory_space<vmem_shared>> -> memref<128x128xf32, #tpu.memory_space<vmem_shared>>
          tpu.enqueue_dma source(%dma_start3A_151 : memref<128x128xf32, #tpu.memory_space<vmem_shared>>) target(%dma_start3A_149 : memref<128x128xf32, #tpu.memory_space<hbm>>) target_semaphore(%run_scoped3A_147 : memref<!tpu.dma_semaphore, #tpu.memory_space<semaphore_mem>>)
          %dma_wait3A_152 = arith.constant 0 : i32
          %dma_wait3A_153 = tpu.memref_slice %arg6[%add3A_146, %dma_wait3A_152] : memref<20224x128xf32, #tpu.memory_space<hbm>> -> memref<128x128xf32, #tpu.memory_space<hbm>>
          %dma_wait3A_154 = arith.constant 0 : i32
          %dma_wait3A_155 = tpu.memref_slice %arg10[%mul3A_141, %dma_wait3A_154] : memref<10112x128xf32, #tpu.memory_space<vmem_shared>> -> memref<128x128xf32, #tpu.memory_space<vmem_shared>>
          tpu.wait_dma2 semaphore(%run_scoped3A_147 : memref<!tpu.dma_semaphore, #tpu.memory_space<semaphore_mem>>) src(%dma_wait3A_155 : memref<128x128xf32, #tpu.memory_space<vmem_shared>>) dst(%dma_wait3A_153 : memref<128x128xf32, #tpu.memory_space<hbm>>)
          tpu.yield
        }) : () -> ()
      } else {
      }
    }
    %scan3A_129 = arith.constant 5 : i32
    return
  }
}

module attributes {stable_mosaic.version = 14 : i64} {
  func.func @body(%arg0: i32, %arg1: memref<1000x128xf32, #tpu.memory_space<vmem>>, %arg2: memref<128x128xf32, #tpu.memory_space<vmem>>, %arg3: memref<1x128xf32, #tpu.memory_space<vmem>>, %arg4: memref<1000x128xf32, #tpu.memory_space<vmem>>) attributes {dimension_semantics = [#tpu.dimension_semantics<arbitrary>], iteration_bounds = array<i64: 10>, scalar_prefetch = 0 : i64, scratch_operands = 0 : i64, tpu.core_type = #tpu.core_type<tc>, window_params = [{transform_indices = @transform_0, window_bounds = array<i64: 1000, 128>}, {pipeline_mode = #tpu.pipeline_mode<synchronous>, transform_indices = @transform_1, window_bounds = array<i64: 128, 128>}, {pipeline_mode = #tpu.pipeline_mode<synchronous>, transform_indices = @transform_2, window_bounds = array<i64: 1, 128>}, {transform_indices = @transform_3, window_bounds = array<i64: 1000, 128>}]} {
    %get3A = arith.constant 0 : index
    %get3A_0 = arith.constant 0 : index
    %get3A_1 = vector.load %arg1[%get3A, %get3A_0] : memref<1000x128xf32, #tpu.memory_space<vmem>>, vector<1000x128xf32>
    %get3A_2 = arith.constant 0 : index
    %get3A_3 = arith.constant 0 : index
    %get3A_4 = vector.load %arg2[%get3A_2, %get3A_3] : memref<128x128xf32, #tpu.memory_space<vmem>>, vector<128x128xf32>
    %dot_general3A = arith.constant dense<0.000000e+00> : vector<1000x128xf32>
    %dot_general3A_5 = tpu.matmul %get3A_1, %get3A_4, %dot_general3A {dimension_numbers = #tpu.dot_dimension_numbers<[1], [0], [0], [1], [0, 0, 1, 1], [], []>, transpose_lhs_hint = false} : vector<1000x128xf32>, vector<128x128xf32>, vector<1000x128xf32> -> vector<1000x128xf32>
    %get3A_6 = arith.constant 0 : index
    %get3A_7 = arith.constant 0 : index
    %get3A_8 = vector.load %arg3[%get3A_6, %get3A_7] : memref<1x128xf32, #tpu.memory_space<vmem>>, vector<1x128xf32>
    %add3A = vector.broadcast %get3A_8 : vector<1x128xf32> to vector<1000x128xf32>
    %add3A_9 = arith.addf %dot_general3A_5, %add3A : vector<1000x128xf32>
    %logistic3A = arith.negf %add3A_9 : vector<1000x128xf32>
    %logistic3A_10 = math.exp %logistic3A : vector<1000x128xf32>
    %logistic3A_11 = arith.constant 1.000000e+00 : f32
    %logistic3A_12 = vector.broadcast %logistic3A_11 : f32 to vector<1000x128xf32>
    %logistic3A_13 = arith.addf %logistic3A_12, %logistic3A_10 : vector<1000x128xf32>
    %logistic3A_14 = arith.divf %logistic3A_12, %logistic3A_13 : vector<1000x128xf32>
    %swap3A = arith.constant 0 : index
    %swap3A_15 = arith.constant 0 : index
    %swap3A_16 = vector.load %arg4[%swap3A, %swap3A_15] : memref<1000x128xf32, #tpu.memory_space<vmem>>, vector<1000x128xf32>
    tpu.vector_store %arg4[%swap3A, %swap3A_15], %logistic3A_14 {strides = array<i32>} : memref<1000x128xf32, #tpu.memory_space<vmem>>, vector<1000x128xf32>,
    return
  }
  func.func @transform_0(%arg0: i32) -> (i32, i32) {
    %c0_i32 = arith.constant 0 : i32
    %c0_i32_0 = arith.constant 0 : i32
    return %arg0, %c0_i32 : i32, i32
  }
  func.func @transform_1(%arg0: i32) -> (i32, i32) {
    %c0_i32 = arith.constant 0 : i32
    %c0_i32_0 = arith.constant 0 : i32
    %c0_i32_1 = arith.constant 0 : i32
    return %c0_i32, %c0_i32_0 : i32, i32
  }
  func.func @transform_2(%arg0: i32) -> (i32, i32) {
    %c0_i32 = arith.constant 0 : i32
    %c0_i32_0 = arith.constant 0 : i32
    %c0_i32_1 = arith.constant 0 : i32
    return %c0_i32, %c0_i32_0 : i32, i32
  }
  func.func @transform_3(%arg0: i32) -> (i32, i32) {
    %c0_i32 = arith.constant 0 : i32
    %c0_i32_0 = arith.constant 0 : i32
    return %arg0, %c0_i32 : i32, i32
  }
}

module attributes {stable_mosaic.version = 14 : i64} {
  func.func @body(%arg0: i32, %arg1: memref<1000x128xf32, #tpu.memory_space<vmem>>, %arg2: memref<2x1000x128xf32, #tpu.memory_space<vmem>>, %arg3: memref<128x128xf32, #tpu.memory_space<vmem>>, %arg4: memref<128x128xf32, #tpu.memory_space<vmem>>, %arg5: memref<1x128xf32, #tpu.memory_space<vmem>>, %arg6: memref<1x128xf32, #tpu.memory_space<vmem>>, %arg7: memref<1x128xf32, #tpu.memory_space<vmem>>, %arg8: memref<1000x128xf32, #tpu.memory_space<vmem>>, %arg9: memref<1000x128xf32, #tpu.memory_space<vmem>>) attributes {dimension_semantics = [#tpu.dimension_semantics<arbitrary>], iteration_bounds = array<i64: 5>, scalar_prefetch = 0 : i64, scratch_operands = 0 : i64, tpu.core_type = #tpu.core_type<tc>, window_params = [{transform_indices = @transform_0, window_bounds = array<i64: 1000, 128>}, {transform_indices = @transform_1, window_bounds = array<i64: 2, 1000, 128>}, {pipeline_mode = #tpu.pipeline_mode<synchronous>, transform_indices = @transform_2, window_bounds = array<i64: 128, 128>}, {pipeline_mode = #tpu.pipeline_mode<synchronous>, transform_indices = @transform_3, window_bounds = array<i64: 128, 128>}, {pipeline_mode = #tpu.pipeline_mode<synchronous>, transform_indices = @transform_4, window_bounds = array<i64: 1, 128>}, {pipeline_mode = #tpu.pipeline_mode<synchronous>, transform_indices = @transform_5, window_bounds = array<i64: 1, 128>}, {pipeline_mode = #tpu.pipeline_mode<synchronous>, transform_indices = @transform_6, window_bounds = array<i64: 1, 128>}, {transform_indices = @transform_7, window_bounds = array<i64: 1000, 128>}, {transform_indices = @transform_8, window_bounds = array<i64: 1000, 128>}]} {
    %get3A = arith.constant 0 : index
    %get3A_0 = arith.constant 0 : index
    %get3A_1 = arith.constant 0 : index
    %get3A_2 = vector.load %arg2[%get3A, %get3A_0, %get3A_1] : memref<2x1000x128xf32, #tpu.memory_space<vmem>>, vector<1x1000x128xf32>
    %get3A_3 = vector.shape_cast %get3A_2 : vector<1x1000x128xf32> to vector<1000x128xf32>
    %get3A_4 = arith.constant 1 : index
    %get3A_5 = arith.constant 0 : index
    %get3A_6 = arith.constant 0 : index
    %get3A_7 = vector.load %arg2[%get3A_4, %get3A_5, %get3A_6] : memref<2x1000x128xf32, #tpu.memory_space<vmem>>, vector<1x1000x128xf32>
    %get3A_8 = vector.shape_cast %get3A_7 : vector<1x1000x128xf32> to vector<1000x128xf32>
    %add3A = arith.addf %get3A_3, %get3A_8 : vector<1000x128xf32>
    %get3A_9 = arith.constant 0 : index
    %get3A_10 = arith.constant 0 : index
    %get3A_11 = vector.load %arg1[%get3A_9, %get3A_10] : memref<1000x128xf32, #tpu.memory_space<vmem>>, vector<1000x128xf32>
    %get3A_12 = arith.constant 0 : index
    %get3A_13 = arith.constant 0 : index
    %get3A_14 = vector.load %arg3[%get3A_12, %get3A_13] : memref<128x128xf32, #tpu.memory_space<vmem>>, vector<128x128xf32>
    %dot_general3A = arith.constant dense<0.000000e+00> : vector<1000x128xf32>
    %dot_general3A_15 = tpu.matmul %get3A_11, %get3A_14, %dot_general3A {dimension_numbers = #tpu.dot_dimension_numbers<[1], [0], [0], [1], [0, 0, 1, 1], [], []>, transpose_lhs_hint = false} : vector<1000x128xf32>, vector<128x128xf32>, vector<1000x128xf32> -> vector<1000x128xf32>
    %get3A_16 = arith.constant 0 : index
    %get3A_17 = arith.constant 0 : index
    %get3A_18 = vector.load %arg4[%get3A_16, %get3A_17] : memref<128x128xf32, #tpu.memory_space<vmem>>, vector<128x128xf32>
    %dot_general3A_19 = arith.constant dense<0.000000e+00> : vector<1000x128xf32>
    %dot_general3A_20 = tpu.matmul %add3A, %get3A_18, %dot_general3A_19 {dimension_numbers = #tpu.dot_dimension_numbers<[1], [0], [0], [1], [0, 0, 1, 1], [], []>, transpose_lhs_hint = false} : vector<1000x128xf32>, vector<128x128xf32>, vector<1000x128xf32> -> vector<1000x128xf32>
    %add3A_21 = arith.addf %dot_general3A_15, %dot_general3A_20 : vector<1000x128xf32>
    %get3A_22 = arith.constant 0 : index
    %get3A_23 = arith.constant 0 : index
    %get3A_24 = vector.load %arg5[%get3A_22, %get3A_23] : memref<1x128xf32, #tpu.memory_space<vmem>>, vector<1x128xf32>
    %add3A_25 = vector.broadcast %get3A_24 : vector<1x128xf32> to vector<1000x128xf32>
    %add3A_26 = arith.addf %add3A_21, %add3A_25 : vector<1000x128xf32>
    %logistic3A = arith.negf %add3A_26 : vector<1000x128xf32>
    %logistic3A_27 = math.exp %logistic3A : vector<1000x128xf32>
    %logistic3A_28 = arith.constant 1.000000e+00 : f32
    %logistic3A_29 = vector.broadcast %logistic3A_28 : f32 to vector<1000x128xf32>
    %logistic3A_30 = arith.addf %logistic3A_29, %logistic3A_27 : vector<1000x128xf32>
    %logistic3A_31 = arith.divf %logistic3A_29, %logistic3A_30 : vector<1000x128xf32>
    %swap3A = arith.constant 0 : index
    %swap3A_32 = arith.constant 0 : index
    %swap3A_33 = vector.load %arg8[%swap3A, %swap3A_32] : memref<1000x128xf32, #tpu.memory_space<vmem>>, vector<1000x128xf32>
    tpu.vector_store %arg8[%swap3A, %swap3A_32], %logistic3A_31 {strides = array<i32>} : memref<1000x128xf32, #tpu.memory_space<vmem>>, vector<1000x128xf32>,
    %get3A_34 = arith.constant 0 : index
    %get3A_35 = arith.constant 0 : index
    %get3A_36 = vector.load %arg6[%get3A_34, %get3A_35] : memref<1x128xf32, #tpu.memory_space<vmem>>, vector<1x128xf32>
    %mul3A = arith.constant 0.999994993 : f32
    %mul3A_37 = vector.broadcast %mul3A : f32 to vector<1x128xf32>
    %mul3A_38 = arith.mulf %get3A_36, %mul3A_37 : vector<1x128xf32>
    %mul3A_39 = vector.broadcast %mul3A_38 : vector<1x128xf32> to vector<1000x128xf32>
    %mul3A_40 = arith.mulf %get3A_11, %mul3A_39 : vector<1000x128xf32>
    %get3A_41 = arith.constant 0 : index
    %get3A_42 = arith.constant 0 : index
    %get3A_43 = vector.load %arg7[%get3A_41, %get3A_42] : memref<1x128xf32, #tpu.memory_space<vmem>>, vector<1x128xf32>
    %add3A_44 = vector.broadcast %get3A_43 : vector<1x128xf32> to vector<1000x128xf32>
    %add3A_45 = arith.addf %mul3A_40, %add3A_44 : vector<1000x128xf32>
    %add3A_46 = arith.addf %add3A_45, %add3A : vector<1000x128xf32>
    %logistic3A_47 = arith.negf %add3A_46 : vector<1000x128xf32>
    %logistic3A_48 = math.exp %logistic3A_47 : vector<1000x128xf32>
    %logistic3A_49 = arith.constant 1.000000e+00 : f32
    %logistic3A_50 = vector.broadcast %logistic3A_49 : f32 to vector<1000x128xf32>
    %logistic3A_51 = arith.addf %logistic3A_50, %logistic3A_48 : vector<1000x128xf32>
    %logistic3A_52 = arith.divf %logistic3A_50, %logistic3A_51 : vector<1000x128xf32>
    %swap3A_53 = arith.constant 0 : index
    %swap3A_54 = arith.constant 0 : index
    %swap3A_55 = vector.load %arg9[%swap3A_53, %swap3A_54] : memref<1000x128xf32, #tpu.memory_space<vmem>>, vector<1000x128xf32>
    tpu.vector_store %arg9[%swap3A_53, %swap3A_54], %logistic3A_52 {strides = array<i32>} : memref<1000x128xf32, #tpu.memory_space<vmem>>, vector<1000x128xf32>,
    return
  }
  func.func @transform_0(%arg0: i32) -> (i32, i32) {
    %c0_i32 = arith.constant 0 : i32
    %c0_i32_0 = arith.constant 0 : i32
    return %arg0, %c0_i32 : i32, i32
  }
  func.func @transform_1(%arg0: i32) -> (i32, i32, i32) {
    %c0_i32 = arith.constant 0 : i32
    %c0_i32_0 = arith.constant 0 : i32
    %c0_i32_1 = arith.constant 0 : i32
    return %c0_i32, %arg0, %c0_i32_0 : i32, i32, i32
  }
  func.func @transform_2(%arg0: i32) -> (i32, i32) {
    %c0_i32 = arith.constant 0 : i32
    %c0_i32_0 = arith.constant 0 : i32
    %c0_i32_1 = arith.constant 0 : i32
    return %c0_i32, %c0_i32_0 : i32, i32
  }
  func.func @transform_3(%arg0: i32) -> (i32, i32) {
    %c0_i32 = arith.constant 0 : i32
    %c0_i32_0 = arith.constant 0 : i32
    %c0_i32_1 = arith.constant 0 : i32
    return %c0_i32, %c0_i32_0 : i32, i32
  }
  func.func @transform_4(%arg0: i32) -> (i32, i32) {
    %c0_i32 = arith.constant 0 : i32
    %c0_i32_0 = arith.constant 0 : i32
    %c0_i32_1 = arith.constant 0 : i32
    return %c0_i32, %c0_i32_0 : i32, i32
  }
  func.func @transform_5(%arg0: i32) -> (i32, i32) {
    %c0_i32 = arith.constant 0 : i32
    %c0_i32_0 = arith.constant 0 : i32
    %c0_i32_1 = arith.constant 0 : i32
    return %c0_i32, %c0_i32_0 : i32, i32
  }
  func.func @transform_6(%arg0: i32) -> (i32, i32) {
    %c0_i32 = arith.constant 0 : i32
    %c0_i32_0 = arith.constant 0 : i32
    %c0_i32_1 = arith.constant 0 : i32
    return %c0_i32, %c0_i32_0 : i32, i32
  }
  func.func @transform_7(%arg0: i32) -> (i32, i32) {
    %c0_i32 = arith.constant 0 : i32
    %c0_i32_0 = arith.constant 0 : i32
    return %arg0, %c0_i32 : i32, i32
  }
  func.func @transform_8(%arg0: i32) -> (i32, i32) {
    %c0_i32 = arith.constant 0 : i32
    %c0_i32_0 = arith.constant 0 : i32
    return %arg0, %c0_i32 : i32, i32
  }
}

module attributes {stable_mosaic.version = 14 : i64} {
  func.func @body(%arg0: i32, %arg1: memref<1000x128xf32, #tpu.memory_space<vmem>>, %arg2: memref<2x1000x128xf32, #tpu.memory_space<vmem>>, %arg3: memref<1x128xf32, #tpu.memory_space<vmem>>, %arg4: memref<1x128xf32, #tpu.memory_space<vmem>>, %arg5: memref<1000x128xf32, #tpu.memory_space<vmem>>) attributes {dimension_semantics = [#tpu.dimension_semantics<arbitrary>], iteration_bounds = array<i64: 10>, scalar_prefetch = 0 : i64, scratch_operands = 0 : i64, tpu.core_type = #tpu.core_type<tc>, window_params = [{transform_indices = @transform_0, window_bounds = array<i64: 1000, 128>}, {transform_indices = @transform_1, window_bounds = array<i64: 2, 1000, 128>}, {pipeline_mode = #tpu.pipeline_mode<synchronous>, transform_indices = @transform_2, window_bounds = array<i64: 1, 128>}, {pipeline_mode = #tpu.pipeline_mode<synchronous>, transform_indices = @transform_3, window_bounds = array<i64: 1, 128>}, {transform_indices = @transform_4, window_bounds = array<i64: 1000, 128>}]} {
    %get3A = arith.constant 0 : index
    %get3A_0 = arith.constant 0 : index
    %get3A_1 = arith.constant 0 : index
    %get3A_2 = vector.load %arg2[%get3A, %get3A_0, %get3A_1] : memref<2x1000x128xf32, #tpu.memory_space<vmem>>, vector<1x1000x128xf32>
    %get3A_3 = vector.shape_cast %get3A_2 : vector<1x1000x128xf32> to vector<1000x128xf32>
    %get3A_4 = arith.constant 1 : index
    %get3A_5 = arith.constant 0 : index
    %get3A_6 = arith.constant 0 : index
    %get3A_7 = vector.load %arg2[%get3A_4, %get3A_5, %get3A_6] : memref<2x1000x128xf32, #tpu.memory_space<vmem>>, vector<1x1000x128xf32>
    %get3A_8 = vector.shape_cast %get3A_7 : vector<1x1000x128xf32> to vector<1000x128xf32>
    %add3A = arith.addf %get3A_3, %get3A_8 : vector<1000x128xf32>
    %get3A_9 = arith.constant 0 : index
    %get3A_10 = arith.constant 0 : index
    %get3A_11 = vector.load %arg1[%get3A_9, %get3A_10] : memref<1000x128xf32, #tpu.memory_space<vmem>>, vector<1000x128xf32>
    %get3A_12 = arith.constant 0 : index
    %get3A_13 = arith.constant 0 : index
    %get3A_14 = vector.load %arg3[%get3A_12, %get3A_13] : memref<1x128xf32, #tpu.memory_space<vmem>>, vector<1x128xf32>
    %mul3A = arith.constant 0.999994993 : f32
    %mul3A_15 = vector.broadcast %mul3A : f32 to vector<1x128xf32>
    %mul3A_16 = arith.mulf %get3A_14, %mul3A_15 : vector<1x128xf32>
    %mul3A_17 = vector.broadcast %mul3A_16 : vector<1x128xf32> to vector<1000x128xf32>
    %mul3A_18 = arith.mulf %get3A_11, %mul3A_17 : vector<1000x128xf32>
    %get3A_19 = arith.constant 0 : index
    %get3A_20 = arith.constant 0 : index
    %get3A_21 = vector.load %arg4[%get3A_19, %get3A_20] : memref<1x128xf32, #tpu.memory_space<vmem>>, vector<1x128xf32>
    %add3A_22 = vector.broadcast %get3A_21 : vector<1x128xf32> to vector<1000x128xf32>
    %add3A_23 = arith.addf %mul3A_18, %add3A_22 : vector<1000x128xf32>
    %add3A_24 = arith.addf %add3A_23, %add3A : vector<1000x128xf32>
    %logistic3A = arith.negf %add3A_24 : vector<1000x128xf32>
    %logistic3A_25 = math.exp %logistic3A : vector<1000x128xf32>
    %logistic3A_26 = arith.constant 1.000000e+00 : f32
    %logistic3A_27 = vector.broadcast %logistic3A_26 : f32 to vector<1000x128xf32>
    %logistic3A_28 = arith.addf %logistic3A_27, %logistic3A_25 : vector<1000x128xf32>
    %logistic3A_29 = arith.divf %logistic3A_27, %logistic3A_28 : vector<1000x128xf32>
    %swap3A = arith.constant 0 : index
    %swap3A_30 = arith.constant 0 : index
    %swap3A_31 = vector.load %arg5[%swap3A, %swap3A_30] : memref<1000x128xf32, #tpu.memory_space<vmem>>, vector<1000x128xf32>
    tpu.vector_store %arg5[%swap3A, %swap3A_30], %logistic3A_29 {strides = array<i32>} : memref<1000x128xf32, #tpu.memory_space<vmem>>, vector<1000x128xf32>,
    return
  }
  func.func @transform_0(%arg0: i32) -> (i32, i32) {
    %c0_i32 = arith.constant 0 : i32
    %c0_i32_0 = arith.constant 0 : i32
    return %arg0, %c0_i32 : i32, i32
  }
  func.func @transform_1(%arg0: i32) -> (i32, i32, i32) {
    %c0_i32 = arith.constant 0 : i32
    %c0_i32_0 = arith.constant 0 : i32
    %c0_i32_1 = arith.constant 0 : i32
    return %c0_i32, %arg0, %c0_i32_0 : i32, i32, i32
  }
  func.func @transform_2(%arg0: i32) -> (i32, i32) {
    %c0_i32 = arith.constant 0 : i32
    %c0_i32_0 = arith.constant 0 : i32
    %c0_i32_1 = arith.constant 0 : i32
    return %c0_i32, %c0_i32_0 : i32, i32
  }
  func.func @transform_3(%arg0: i32) -> (i32, i32) {
    %c0_i32 = arith.constant 0 : i32
    %c0_i32_0 = arith.constant 0 : i32
    %c0_i32_1 = arith.constant 0 : i32
    return %c0_i32, %c0_i32_0 : i32, i32
  }
  func.func @transform_4(%arg0: i32) -> (i32, i32) {
    %c0_i32 = arith.constant 0 : i32
    %c0_i32_0 = arith.constant 0 : i32
    return %arg0, %c0_i32 : i32, i32
  }
}

</mosaic_0001>

<sc_bundles>
// kernel: kernel.10.cloned.1.call-start
scs
__scs_entry_jumppad:
0x0: {  	(pc) =	sbr.rel $0x88, $3  }
0x1: {  	(tag) =	ssettag $0x0;
	lr =	simm.s32 $0x1  }
0x2: {  	[smem:$0x3F96] =	sst lr;
	_ =	strace $0xD0000000  }
0x3: {  	_ = 	snop  }
0x4: {  	_ = 	snop  }
0x5: {  	_ = 	snop  }
0x6: {  	_ = 	snop  }
0x7: {  	_ = 	snop  }
__scs_overlays_trampoline_lowered:
0x8: {  	[smem:$0x3FA5] =	sst s0  }
0x9: {  	[smem:$0x3FA6] =	sst s1  }
0xa: {  	[smem:$0x3FA7] =	sst s2  }
0xb: {  	[smem:$0x3FA8] =	sst s3  }
0xc: {  	[smem:$0x3FA9] =	sst s4  }
0xd: {  	[smem:$0x3FAA] =	sst s5  }
0xe: {  	[smem:$0x3FAB] =	sst s6  }
0xf: {  	[smem:$0x3FAC] =	sst s7  }
0x10: {  	[smem:$0x3FAD] =	sst s8  }
0x11: {  	[smem:$0x3FAE] =	sst s9;
	s0 =	simm.s32 @!p0 $0x0  }
0x12: {  	s1 =	sld [smem:$0x3F94];
	s0 =	simm.s32 @p0 $0x1  }
0x13: {  	[smem:$0x3FAF] =	sst s0;
	s0 =	simm.s32 @!p1 $0x0  }
0x14: {  	s2 =	sld [smem:$0x3F93];
	s0 =	simm.s32 @p1 $0x1  }
0x15: {  	[smem:$0x3FB0] =	sst s0;
	s0 =	simm.s32 @!p2 $0x0  }
0x16: {  	s3 =	sld [smem:$0x3FDB];
	s0 =	simm.s32 @p2 $0x1  }
0x17: {  	s4 =	simm.s32 $0x1BF5;
	[smem:$0x3FB2] =	sst s0  }
0x18: {  	s0 =	sld [smem:$0x3F95];
	_ =	swait.ge [sflag:s4], $0x0  }
0x19: {  	s7 =	sld [smem:$0x3F96]  }
0x1a: {  	s8 =	sadd.s32 $0xFFFFE003, lr  }
0x1b: {  	s9 =	sadd.s32 $0xFFFFFEF7, lr;
	s5 =	simm.s32 $0xFFFFFFFF;
	p2 =	slt.u32 s8, $0xFFFFF086  }
0x1c: {  	p1 =	slt.u32 s9, $0xF7A;
	s5 =	simm.s32 @!p2 $0x0  }
0x1d: {  	s5 =	simm.s32 @p1 $0x1;
	p0 =	seq.s32 s7, s2  }
0x1e: {  	s7 =	smul.u32 @!p0 $0xF7A, s2;
	p2 =	seq.s32 @!p0 s5, $0x0  }
0x1f: {  	s9 =	smul.u32 $0xF7A, s1;
	s8 =	simm.s32 @!p0 $0x1BF5;
	p2 =	por !p2, p0  }
0x20: {  	[sflag:s8] =	ssyncset.s32 @!p0 $0xFFFFF086;
	s6 =	sadd.s32 @!p0 s3, s7;
	s7 =	simm.s32 @!p0 $0x108  }
0x21: {  	s3 =	sadd.s32 s3, s9;
	s6 =	sadd.s32 @!p0 $0x88, s6;
	s7 =	simm.s32 @p2 $0x1082  }
0x22: {  	[simem:s7], [sflag:s8] =	dma.local @!p0 [hbm:s6], $0xF7A  }
0x23: {  	s9 =	sor.u32 $0xD0000000, s2;
	s6 =	simm.s32 $0x108;
	_ =	swait.ge @!p0 [sflag:s8], $0x0  }
0x24: {  	s3 =	sadd.s32 $0x88, s3;
	s6 =	simm.s32 @!p1 $0x1082;
	[sflag:s4] =	ssyncset.s32 $0xFFFFF086  }
0x25: {  	[simem:s6], [sflag:s4] =	dma.local [hbm:s3], $0xF7A  }
0x26: {  	[smem:$0x3F96] =	sst s1;
	(tag) =	ssettag s2;
	_ =	strace s9  }
0x27: {  	s1 =	sld [smem:$0x3FA6]  }
0x28: {  	s2 =	sld [smem:$0x3FA7]  }
0x29: {  	s4 =	sld [smem:$0x3FA9]  }
0x2a: {  	p0 =	seq.s32 s5, $0x0;
	s5 =	sld [smem:$0x3FAA]  }
0x2b: {  	s6 =	sld [smem:$0x3FAB]  }
0x2c: {  	s7 =	sld [smem:$0x3FAC]  }
0x2d: {  	s3 =	simm.s32 $0x108;
	s8 =	sld [smem:$0x3FAD]  }
0x2e: {  	s3 =	simm.s32 @!p0 $0x1082;
	s9 =	sld [smem:$0x3FAE]  }
0x2f: {  	lr =	sadd.s32 s0, s3;
	s0 =	sld [smem:$0x3FA5]  }
0x30: {  	s3 =	sld [smem:$0x3FA8]  }
0x31: {  	[smem:$0x3FB1] =	sst s10  }
0x32: {  	s10 =	sld [smem:$0x3FAF];
	_ =	sdelay $0x3  }
0x33: {  	p0 =	seq.s32 s10, $0x1;
	s10 =	sld [smem:$0x3FB1];
	_ =	sdelay $0x3  }
0x34: {  	[smem:$0x3FB1] =	sst s10  }
0x35: {  	s10 =	sld [smem:$0x3FB0];
	_ =	sdelay $0x3  }
0x36: {  	p1 =	seq.s32 s10, $0x1;
	s10 =	sld [smem:$0x3FB1];
	_ =	sdelay $0x3  }
0x37: {  	[smem:$0x3FB1] =	sst s10  }
0x38: {  	s10 =	sld [smem:$0x3FB2]  }
0x39: {  	_ = 	snop;
	(pc) =	sbr.ind lr, $3  }
0x3a: {  	_ = 	snop  }
0x3b: {  	_ = 	snop  }
0x3c: {  	p2 =	seq.s32 s10, $0x1;
	s10 =	sld [smem:$0x3FB1]  }
0x3d: {  	_ =	shalt  }
0x3e: {  	_ =	shalt  }
0x3f: {  	_ =	shalt  }
0x40: {  	_ =	shalt  }
0x41: {  	_ =	shalt  }
0x42: {  	_ =	shalt  }
0x43: {  	_ =	shalt  }
0x44: {  	_ =	shalt  }
0x45: {  	_ =	shalt  }
0x46: {  	_ =	shalt  }
0x47: {  	_ =	shalt  }
0x48: {  	_ =	shalt  }
0x49: {  	_ =	shalt  }
0x4a: {  	_ =	shalt  }
0x4b: {  	_ =	shalt  }
0x4c: {  	_ =	shalt  }
0x4d: {  	_ =	shalt  }
0x4e: {  	_ =	shalt  }
0x4f: {  	_ =	shalt  }
0x50: {  	_ =	shalt  }
0x51: {  	_ =	shalt  }
0x52: {  	_ =	shalt  }
0x53: {  	_ =	shalt  }
0x54: {  	_ =	shalt  }
0x55: {  	_ =	shalt  }
0x56: {  	_ =	shalt  }
0x57: {  	_ =	shalt  }
0x58: {  	_ =	shalt  }
0x59: {  	_ =	shalt  }
0x5a: {  	_ =	shalt  }
0x5b: {  	_ =	shalt  }
0x5c: {  	_ =	shalt  }
0x5d: {  	_ =	shalt  }
0x5e: {  	_ =	shalt  }
0x5f: {  	_ =	shalt  }
0x60: {  	_ =	shalt  }
0x61: {  	_ =	shalt  }
0x62: {  	_ =	shalt  }
0x63: {  	_ =	shalt  }
0x64: {  	_ =	shalt  }
0x65: {  	_ =	shalt  }
0x66: {  	_ =	shalt  }
0x67: {  	_ =	shalt  }
0x68: {  	_ =	shalt  }
0x69: {  	_ =	shalt  }
0x6a: {  	_ =	shalt  }
0x6b: {  	_ =	shalt  }
0x6c: {  	_ =	shalt  }
0x6d: {  	_ =	shalt  }
0x6e: {  	_ =	shalt  }
0x6f: {  	_ =	shalt  }
0x70: {  	_ =	shalt  }
0x71: {  	_ =	shalt  }
0x72: {  	_ =	shalt  }
0x73: {  	_ =	shalt  }
0x74: {  	_ =	shalt  }
0x75: {  	_ =	shalt  }
0x76: {  	_ =	shalt  }
0x77: {  	_ =	shalt  }
0x78: {  	_ =	shalt  }
0x79: {  	_ =	shalt  }
0x7a: {  	_ =	shalt  }
0x7b: {  	_ =	shalt  }
0x7c: {  	_ =	shalt  }
0x7d: {  	_ =	shalt  }
0x7e: {  	_ =	shalt  }
0x7f: {  	_ =	shalt  }
0x80: {  	_ =	shalt  }
0x81: {  	_ =	shalt  }
0x82: {  	_ =	shalt  }
0x83: {  	_ =	shalt  }
0x84: {  	_ =	shalt  }
0x85: {  	_ =	shalt  }
0x86: {  	_ =	shalt  }
0x87: {  	_ =	shalt  }
.Lfunc_end0:
.L_simem_size_0:
called_computation.1_lowered:
.L_overlay_start_0:
0x88: {  	s2 =	sld [smem:$0x3FD9]  }
0x89: {  	s3 =	sld [smem:$0x3FFE];
	_ =	sdelay $0x1  }
0x8a: {  	s1 =	srdreg.scid  }
0x8b: {  	s0 =	sand.u32 $0x1, s1  }
0x8c: {  	s14 =	sshll.u32 s0, $0xA;
	s2 =	sadd.s32 s3, s2  }
0x8d: {  	s2 =	sadd.s32 s2, s14  }
0x8e: {  	[smem:$0x3FBD] =	sst s2  }
0x8f: {  	_ = 	snop  }
0x90: {  	s2 =	sld [smem:$0x3FD0];
	_ =	sdelay $0x2  }
0x91: {  	s15 =	simm.s32 $0xA;
	s4 =	simm.s32 $0x10  }
0x92: {  	[smem:s4], [sflag:s15] =	dma.local [hbm:s2], $0x1  }
0x93: {  	_ =	swait.eq [sflag:s15], $0x1  }
0x94: {  	[sflag:s15] =	ssyncset.done $0x0  }
0x95: {  	[sflag:s15] =	ssyncadd.s32 $0xFFFFFFFF  }
0x96: {  	s16 =	sld [smem:$0x10];
	(tm) =	ssettm $0x1  }
0x97: {  	s17 =	sld [smem:$0x3FFB];
	_ =	sdelay $0x3  }
0x98: {  	_ =	strace s17  }
0x99: {  	s3 =	sld [smem:$0x3FFC];
	_ =	sdelay $0x3  }
0x9a: {  	_ =	strace s3  }
0x9b: {  	s3 =	sld [smem:$0x3FFD];
	_ =	sdelay $0x3  }
0x9c: {  	_ =	strace s3  }
0x9d: {  	_ =	strace $0x8FFFFFFF  }
0x9e: {  	s18 =	sld [smem:$0x3FDB];
	_ =	sdelay $0x1  }
0x9f: {  	s19 =	simm.s32 $_scs_section_size  }
0xa0: {  	s5 =	simm.s32 $_size__tile_overlayer_lowered;
	s6 =	simm.s32 $_tile_overlayer_lowered  }
0xa1: {  	s22 =	simm.s32 $0x1BFF;
	s21 =	sshll.u32 s6, $0x1;
	s3 =	sadd.s32 s19, s18  }
0xa2: {  	s7 =	simm.s32 $0x0;
	s20 =	sshll.u32 s5, $0x1;
	s5 =	sadd.s32 s21, s3  }
0xa3: {  	[timem:s7], [sflag:s22] =	dma.local [hbm:s5], s20  }
0xa4: {  	_ =	swait.ge [sflag:s22], s20  }
0xa5: {  	s4 =	ssub.s32 $0x0, s20;
	[sflag:s22] =	ssyncset.done $0x0  }
0xa6: {  	[sflag:s22] =	ssyncadd.s32 s4;
	_ =	sdelay $0x1  }
0xa7: {  	s23 =	simm.s32 $0x1B8B  }
0xa8: {  	_ =	swait.ge [sflag:s23], $0x1  }
0xa9: {  	[sflag:s23] =	ssyncset.done $0x0  }
0xaa: {  	s25 =	simm.s32 $0x1B8E;
	s24 =	sld [smem:$0x3FFE];
	[sflag:s23] =	ssyncadd.s32 $0xFFFFFFFF  }
0xab: {  	s26 =	simm.s32 $execute0_lowered;
	[smem:$0x3FD2] =	sst s25  }
0xac: {  	s5 =	sshll.u32 s26, $0x1;
	_ =	strace $0x80000049;
	[dreg:$0x1] =	wrdreg $0xFFFFFFFF  }
0xad: {  	s28 =	simm.s32 $_size_execute0_lowered;
	s3 =	sadd.s32 s3, s5;
	[dreg:$0x0] =	wrdreg $0x0  }
0xae: {  	s5 =	sshll.u32 s28, $0x1;
	[dreg:$0x2] =	wrdreg s3  }
0xaf: {  	[dreg:$0x3] =	wrdreg s5  }
0xb0: {  	[dreg:$0x4] =	wrdreg $0xC0  }
0xb1: {  	_ =	task [dreg:s7], $0x5FFFF  }
0xb2: {  	[dreg:$0x1] =	wrdreg $0xFFFFFFFF  }
0xb3: {  	[dreg:$0x0] =	wrdreg $0x60  }
0xb4: {  	[dreg:$0x2] =	wrdreg s16  }
0xb5: {  	[dreg:$0x3] =	wrdreg s24  }
0xb6: {  	[dreg:$0x4] =	wrdreg $0xA8000  }
0xb7: {  	[dreg:$0x5] =	wrdreg $0x9  }
0xb8: {  	_ =	task.clear_ibuf [dreg:s7], $0x6FFFF;
	_ =	strace $0x90000049  }
0xb9: {  	s29 =	simm.s32 $0x9;
	_ =	strace $0x8000004B  }
0xba: {  	_ =	swait.ge [sflag:s29], $0x1  }
0xbb: {  	[sflag:s29] =	ssyncadd.s32 $0xFFFFFFFF  }
0xbc: {  	_ =	strace $0x9000004B  }
0xbd: {  	_ =	sfence  }
0xbe: {  	s30 =	sld [smem:$0x0];
	_ =	sdelay $0x2  }
0xbf: {  	s31 =	sshll.u32 s1, $0xD;
	s1 =	sshrl.u32 s1, $0x2  }
0xc0: {  	s3 =	sand.u32 $0x4000, s31;
	s1 =	sadd.s32 s1, s30  }
0xc1: {  	s0 =	sor.u32 s3, s0;
	s1 =	sshll.u32 s1, $0x11  }
0xc2: {  	s0 =	sor.u32 s1, s0  }
0xc3: {  	s0 =	sadd.s32 $0x8F2B, s0  }
0xc4: {  	[sflag:s0] =	ssyncadd.remote.s32 $0x1  }
0xc5: {  	_ =	sfence.sel $0xFFFF  }
0xc6: {  	[dreg:$0x0] =	wrdreg $0xFFFFFFFF;
	(pc) =	sbr.abs _section_cstart, $3  }
0xc7: {  	[dreg:$0x1] =	wrdreg $0xFFFFFFFF  }
0xc8: {  	_ =	task.clear_ibuf [dreg:s7], $0x2FFFF;
	_ =	strace $0x9FFFFFFF  }
0xc9: {  	(tm) =	ssettm $0x7FFFFFFF  }
tec
execute0_lowered:
.L_overlay_start_1:
0x0: {  	(tag) =	ssettag $0x1  }
0x1: {  	s1 =	rddreg [dreg:$0x0]  }
0x2: {  	s0 =	rddreg [dreg:$0x1]  }
0x3: {  	s3 =	rddreg [dreg:$0x2];
	s4 =	simm.s32 $0x0  }
0x4: {  	s2 =	srdreg.scid;
	s13 =	stileid.u32;
	s28 =	simm.s32 $0x1  }
0x5: {  	s29 =	simm.s32 $0x2;
	s30 =	simm.s32 $0x2700;
	s31 =	simm.s32 $0x2780  }
0x6: {  	[smem:$0x7FF] =	sst s4;
	s2 =	sand.u32 $0x1, s2;
	s5 =	sshll.u32 s13, $0x1  }
0x7: {  	s6 =	sadd.s32 $0xC200, s0;
	s8 =	sadd.s32 $0x16200, s0;
	s17 =	sshll.u32 s13, $0xE  }
0x8: {  	s18 =	sshll.u32 s13, $0x6;
	p0 =	seq.s32 s13, $0xF;
	_ =	strace $0x8000004A  }
0x9: {  	s7 =	sor.u32 s2, s5;
	s9 =	ssub.s32 $0x2, s2;
	s5 =	sadd.s32 $0x20200, s0  }
0xa: {  	s0 =	sadd.s32 $0x20A00, s0;
	s2 =	smul.u32 $0x13C000, s2;
	s19 =	sadd.s32 s17, s3  }
0xb: {  	s20 =	sor.u32 $0x40000, s17;
	s22 =	sor.u32 $0x80000, s17;
	s10 =	smul.u32 $0x2800, s7  }
0xc: {  	s23 =	sor.u32 $0xC0000, s17;
	s11 =	sshrl.u32 s9, $0x1;
	s7 =	smul.u32 $0x500, s7  }
0xd: {  	[dreg:$0x9] =	wrdreg s19;
	s21 =	sadd.s32 s20, s3;
	s9 =	ssub.s32 s9, s11  }
0xe: {  	[dreg:$0xa] =	wrdreg s21;
	s24 =	sadd.s32 s2, s17;
	s12 =	sadd.s32 s6, s7  }
0xf: {  	s25 =	sadd.s32 s2, s22;
	s7 =	sadd.s32 s8, s7;
	[dreg:$0x4] =	wrdreg s12  }
0x10: {  	s10 =	sshrl.u32 s10, $0x3;
	s16 =	smax.u32 s9, $0x1;
	[dreg:$0x5] =	wrdreg s7  }
0x11: {  	s26 =	sadd.s32 s2, s23;
	s14 =	sadd.s32 $0x280, s10;
	[dreg:$0x8] =	wrdreg s16  }
0x12: {  	s12 =	sor.u32 $0x1C03, s18;
	s10 =	sshrl.u32 s24, $0x3;
	s7 =	sadd.s32 s2, s20  }
0x13: {  	s24 =	simm.s32 $0x80;
	s6 =	sadd.s32 s6, s14;
	s15 =	sadd.s32 s8, s14  }
0x14: {  	s14 =	sadd.s32 s22, s3;
	s7 =	sshrl.u32 s7, $0x3;
	s8 =	sshrl.u32 s26, $0x3  }
0x15: {  	s22 =	simm.s32 $0x3;
	s26 =	simm.s32 $0x6800;
	[dreg:$0x6] =	wrdreg s6  }
0x16: {  	[dreg:$0x7] =	wrdreg s15;
	s15 =	sadd.s32 s23, s3;
	s6 =	sor.u32 $0x100000, s17  }
0x17: {  	s17 =	sadd.s32 s0, s10;
	s18 =	sadd.s32 s0, s7;
	s7 =	sshrl.u32 s25, $0x3  }
0x18: {  	s20 =	sadd.s32 s0, s8;
	s23 =	simm.s32 $0x1400;
	s2 =	sadd.s32 s2, s6  }
0x19: {  	s25 =	simm.s32 $0x2800;
	s16 =	sadd.s32 s6, s3;
	s2 =	sshrl.u32 s2, $0x3  }
0x1a: {  	s19 =	sadd.s32 s0, s7;
	s21 =	sadd.s32 s0, s2;
	s0 =	simm.s32 $0x0  }
.LBB2_1:
0x1b: {  	s2 =	rddreg [dreg:$0x9]  }
0x1c: {  	s2 =	sshrl.u32 s2, $0x3  }
0x1d: {  	[spmem:s2], [sflag:s12] =	dma.local [hbm:s5], $0x800  }
0x1e: {  	_ =	swait.ge [sflag:s22], $0x800  }
0x1f: {  	[sflag:s22] =	ssyncset.done $0x0;
	s6 =	rddreg [dreg:$0xa]  }
0x20: {  	[sflag:s22] =	ssyncadd.s32 $0xFFFFF800;
	s6 =	sshrl.u32 s6, $0x3  }
0x21: {  	[spmem:s6], [sflag:s12] =	dma.local [hbm:s5], $0x800  }
0x22: {  	_ =	swait.ge [sflag:s22], $0x800  }
0x23: {  	[sflag:s22] =	ssyncset.done $0x0  }
0x24: {  	s7 =	sshrl.u32 s14, $0x3;
	[sflag:s22] =	ssyncadd.s32 $0xFFFFF800  }
0x25: {  	[spmem:s7], [sflag:s12] =	dma.local [hbm:s5], $0x800  }
0x26: {  	_ =	swait.ge [sflag:s22], $0x800  }
0x27: {  	[sflag:s22] =	ssyncset.done $0x0  }
0x28: {  	s8 =	sshrl.u32 s15, $0x3;
	[sflag:s22] =	ssyncadd.s32 $0xFFFFF800  }
0x29: {  	[spmem:s8], [sflag:s12] =	dma.local [hbm:s5], $0x800  }
0x2a: {  	_ =	swait.ge [sflag:s22], $0x800  }
0x2b: {  	[sflag:s22] =	ssyncset.done $0x0  }
0x2c: {  	s9 =	sshrl.u32 @!p0 s16, $0x3;
	s10 =	simm.s32 @!p0 $0x3;
	[sflag:s22] =	ssyncadd.s32 $0xFFFFF800  }
0x2d: {  	[spmem:s9], [sflag:s12] =	dma.local @!p0 [hbm:s5], $0x800  }
0x2e: {  	_ =	swait.ge @!p0 [sflag:s10], $0x800  }
0x2f: {  	[sflag:s10] =	ssyncset.done @!p0 $0x0  }
0x30: {  	s13 =	rddreg [dreg:$0x4];
	[sflag:s10] =	ssyncadd.s32 @!p0 $0xFFFFF800  }
0x31: {  	[tilespmem:s4], [sflag:$0x3] =	stream.linear.gather [hbm4b:s13+s4], $0x1400, $0x38;
	[tilespmem:$0x1E400] =	vst v63  }
0x32: {  	_ =	swait.ge [sflag:s22], $0x1400  }
0x33: {  	[sflag:s22] =	ssyncset.done $0x0  }
0x34: {  	s11 =	rddreg [dreg:$0x5];
	[sflag:s22] =	ssyncadd.s32 $0xFFFFEC00  }
0x35: {  	[tilespmem:s23], [sflag:$0x3] =	stream.linear.gather [hbm4b:s11+s4], $0x1400, $0x38;
	[tilespmem:$0x1E400] =	vst v63  }
0x36: {  	_ =	swait.ge [sflag:s22], $0x1400  }
0x37: {  	[sflag:s22] =	ssyncset.done $0x0  }
0x38: {  	[sflag:s22] =	ssyncadd.s32 $0xFFFFEC00  }
0x39: {  	[bflag:$0x0] =	sbarrier.arrive $0xFFFF  }
0x3a: {  	[tilespmem:s25], [sflag:$0x1] =	stream.indirect.gather [hbm4b:s1+s24], $0x80, s4, s24, $0xb8;
	[tilespmem:$0x1E400] =	vst v63  }
0x3b: {  	_ = 	snop  }
0x3c: {  	[tilespmem:s26], [sflag:$0x2] =	stream.indirect.gather [hbm4b:s1+s24], $0x80, s24, s24, $0xb8;
	[tilespmem:$0x1E400] =	vst v63  }
0x3d: {  	_ =	swait.ge [sflag:s28], $0x4000  }
0x3e: {  	[sflag:s28] =	ssyncset.done $0x0  }
0x3f: {  	s13 =	simm.s32 $0x1400;
	[sflag:s28] =	ssyncadd.s32 $0xFFFFC000  }
0x40: {  	[spmem:s3] =	stream.indirect.scatter.add.f32 [tilespmem:s25], [sflag:$0x3], $0x80, s13, s24, $0xb8;
	[tilespmem:$0x1E400] =	vst v63  }
0x41: {  	_ =	swait.ge [sflag:s22], $0x4000  }
0x42: {  	[sflag:s22] =	ssyncset.done $0x0  }
0x43: {  	s11 =	simm.s32 $0x100;
	[sflag:s22] =	ssyncadd.s32 $0xFFFFC000  }
0x44: {  	[tilespmem:s25], [sflag:$0x1] =	stream.indirect.gather [hbm4b:s1+s24], $0x80, s11, s24, $0xb8;
	[tilespmem:$0x1E400] =	vst v63  }
0x45: {  	_ =	swait.ge [sflag:s29], $0x4000  }
0x46: {  	[sflag:s29] =	ssyncset.done $0x0  }
0x47: {  	s13 =	simm.s32 $0x1480;
	[sflag:s29] =	ssyncadd.s32 $0xFFFFC000  }
0x48: {  	[spmem:s3] =	stream.indirect.scatter.add.f32 [tilespmem:s26], [sflag:$0x3], $0x80, s13, s24, $0xb8;
	[tilespmem:$0x1E400] =	vst v63  }
0x49: {  	_ =	swait.ge [sflag:s22], $0x4000  }
0x4a: {  	[sflag:s22] =	ssyncset.done $0x0  }
0x4b: {  	s10 =	simm.s32 $0x400;
	s11 =	simm.s32 $0x180;
	[sflag:s22] =	ssyncadd.s32 $0xFFFFC000  }
.LBB2_2:
0x4c: {  	[tilespmem:s26], [sflag:$0x2] =	stream.indirect.gather [hbm4b:s1+s24], $0x80, s11, s24, $0xb8;
	[tilespmem:$0x1E400] =	vst v63  }
0x4d: {  	s11 =	smov.u32 s10  }
0x4e: {  	p1 =	sne.s32 s10, $0x4800;
	s10 =	sadd.s32 $0x400, s10;
	_ =	swait.ge [sflag:s28], $0x4000  }
0x4f: {  	s11 =	sshra.s32 s11, $0x2;
	[sflag:s28] =	ssyncset.done $0x0  }
0x50: {  	s13 =	sadd.s32 $0x1400, s11;
	[sflag:s28] =	ssyncadd.s32 $0xFFFFC000  }
0x51: {  	[spmem:s3] =	stream.indirect.scatter.add.f32 [tilespmem:s25], [sflag:$0x3], $0x80, s13, s24, $0xb8;
	[tilespmem:$0x1E400] =	vst v63  }
0x52: {  	_ =	swait.ge [sflag:s22], $0x4000  }
0x53: {  	[sflag:s22] =	ssyncset.done $0x0  }
0x54: {  	s13 =	sadd.s32 $0x100, s11;
	[sflag:s22] =	ssyncadd.s32 $0xFFFFC000  }
0x55: {  	[tilespmem:s25], [sflag:$0x1] =	stream.indirect.gather [hbm4b:s1+s24], $0x80, s13, s24, $0xb8;
	[tilespmem:$0x1E400] =	vst v63  }
0x56: {  	_ =	swait.ge [sflag:s29], $0x4000  }
0x57: {  	[sflag:s29] =	ssyncset.done $0x0  }
.Ltmp0:
0x58: {  	s13 =	sadd.s32 $0x1480, s11;
	[sflag:s29] =	ssyncadd.s32 $0xFFFFC000;
	(pc) =	sbr.rel @p1 .LBB2_2-.Ltmp0, $4  }
0x59: {  	[spmem:s3] =	stream.indirect.scatter.add.f32 [tilespmem:s26], [sflag:$0x3], $0x80, s13, s24, $0xb8;
	[tilespmem:$0x1E400] =	vst v63  }
0x5a: {  	_ =	swait.ge [sflag:s22], $0x4000  }
0x5b: {  	[sflag:s22] =	ssyncset.done $0x0  }
0x5c: {  	s11 =	sadd.s32 $0x180, s11;
	[sflag:s22] =	ssyncadd.s32 $0xFFFFC000  }
0x5d: {  	[tilespmem:s26], [sflag:$0x2] =	stream.indirect.gather [hbm4b:s1+s24], $0x80, s11, s24, $0xb8;
	[tilespmem:$0x1E400] =	vst v63  }
0x5e: {  	_ =	swait.ge [sflag:s28], $0x4000  }
0x5f: {  	[sflag:s28] =	ssyncset.done $0x0  }
0x60: {  	[sflag:s28] =	ssyncadd.s32 $0xFFFFC000  }
0x61: {  	[spmem:s3] =	stream.indirect.scatter.add.f32 [tilespmem:s25], [sflag:$0x3], $0x80, s30, s24, $0xb8;
	[tilespmem:$0x1E400] =	vst v63  }
0x62: {  	_ =	swait.ge [sflag:s22], $0x4000  }
0x63: {  	[sflag:s22] =	ssyncset.done $0x0  }
0x64: {  	[sflag:s22] =	ssyncadd.s32 $0xFFFFC000  }
0x65: {  	_ =	swait.ge [sflag:s29], $0x4000  }
0x66: {  	[sflag:s29] =	ssyncset.done $0x0  }
0x67: {  	[sflag:s29] =	ssyncadd.s32 $0xFFFFC000  }
0x68: {  	[spmem:s3] =	stream.indirect.scatter.add.f32 [tilespmem:s26], [sflag:$0x3], $0x80, s31, s24, $0xb8;
	[tilespmem:$0x1E400] =	vst v63  }
0x69: {  	_ =	swait.ge [sflag:s22], $0x4000  }
0x6a: {  	[sflag:s22] =	ssyncset.done $0x0  }
0x6b: {  	s10 =	simm.s32 $0x0;
	s13 =	rddreg [dreg:$0x6];
	[sflag:s22] =	ssyncadd.s32 $0xFFFFC000  }
0x6c: {  	[tilespmem:s10], [sflag:$0x3] =	stream.linear.gather [hbm4b:s13+s10], $0x1400, $0x38;
	[tilespmem:$0x1E400] =	vst v63  }
0x6d: {  	_ =	swait.ge [sflag:s22], $0x1400  }
0x6e: {  	[sflag:s22] =	ssyncset.done $0x0  }
0x6f: {  	s13 =	rddreg [dreg:$0x7];
	[sflag:s22] =	ssyncadd.s32 $0xFFFFEC00  }
0x70: {  	[tilespmem:s23], [sflag:$0x3] =	stream.linear.gather [hbm4b:s13+s10], $0x1400, $0x38;
	[tilespmem:$0x1E400] =	vst v63  }
0x71: {  	_ =	swait.ge [sflag:s22], $0x1400  }
0x72: {  	[sflag:s22] =	ssyncset.done $0x0  }
0x73: {  	[sflag:s22] =	ssyncadd.s32 $0xFFFFEC00  }
0x74: {  	[tilespmem:s25], [sflag:$0x1] =	stream.indirect.gather [hbm4b:s1+s24], $0x80, s10, s24, $0xb8;
	[tilespmem:$0x1E400] =	vst v63  }
0x75: {  	_ = 	snop  }
0x76: {  	[tilespmem:s26], [sflag:$0x2] =	stream.indirect.gather [hbm4b:s1+s24], $0x80, s24, s24, $0xb8;
	[tilespmem:$0x1E400] =	vst v63  }
0x77: {  	_ =	swait.ge [sflag:s28], $0x4000  }
0x78: {  	[sflag:s28] =	ssyncset.done $0x0  }
0x79: {  	s13 =	simm.s32 $0x1400;
	[sflag:s28] =	ssyncadd.s32 $0xFFFFC000  }
0x7a: {  	[spmem:s3] =	stream.indirect.scatter.add.f32 [tilespmem:s25], [sflag:$0x3], $0x80, s13, s24, $0xb8;
	[tilespmem:$0x1E400] =	vst v63  }
0x7b: {  	_ =	swait.ge [sflag:s22], $0x4000  }
0x7c: {  	[sflag:s22] =	ssyncset.done $0x0  }
0x7d: {  	s11 =	simm.s32 $0x100;
	[sflag:s22] =	ssyncadd.s32 $0xFFFFC000  }
0x7e: {  	[tilespmem:s25], [sflag:$0x1] =	stream.indirect.gather [hbm4b:s1+s24], $0x80, s11, s24, $0xb8;
	[tilespmem:$0x1E400] =	vst v63  }
0x7f: {  	_ =	swait.ge [sflag:s29], $0x4000  }
0x80: {  	[sflag:s29] =	ssyncset.done $0x0  }
0x81: {  	s13 =	simm.s32 $0x1480;
	[sflag:s29] =	ssyncadd.s32 $0xFFFFC000  }
0x82: {  	[spmem:s3] =	stream.indirect.scatter.add.f32 [tilespmem:s26], [sflag:$0x3], $0x80, s13, s24, $0xb8;
	[tilespmem:$0x1E400] =	vst v63  }
0x83: {  	_ =	swait.ge [sflag:s22], $0x4000  }
0x84: {  	[sflag:s22] =	ssyncset.done $0x0  }
0x85: {  	s10 =	simm.s32 $0x400;
	s11 =	simm.s32 $0x180;
	[sflag:s22] =	ssyncadd.s32 $0xFFFFC000  }
.LBB2_4:
0x86: {  	[tilespmem:s26], [sflag:$0x2] =	stream.indirect.gather [hbm4b:s1+s24], $0x80, s11, s24, $0xb8;
	[tilespmem:$0x1E400] =	vst v63  }
0x87: {  	s11 =	smov.u32 s10  }
0x88: {  	p1 =	sne.s32 s10, $0x4800;
	s10 =	sadd.s32 $0x400, s10;
	_ =	swait.ge [sflag:s28], $0x4000  }
0x89: {  	s11 =	sshra.s32 s11, $0x2;
	[sflag:s28] =	ssyncset.done $0x0  }
0x8a: {  	s13 =	sadd.s32 $0x1400, s11;
	[sflag:s28] =	ssyncadd.s32 $0xFFFFC000  }
0x8b: {  	[spmem:s3] =	stream.indirect.scatter.add.f32 [tilespmem:s25], [sflag:$0x3], $0x80, s13, s24, $0xb8;
	[tilespmem:$0x1E400] =	vst v63  }
0x8c: {  	_ =	swait.ge [sflag:s22], $0x4000  }
0x8d: {  	[sflag:s22] =	ssyncset.done $0x0  }
0x8e: {  	s13 =	sadd.s32 $0x100, s11;
	[sflag:s22] =	ssyncadd.s32 $0xFFFFC000  }
0x8f: {  	[tilespmem:s25], [sflag:$0x1] =	stream.indirect.gather [hbm4b:s1+s24], $0x80, s13, s24, $0xb8;
	[tilespmem:$0x1E400] =	vst v63  }
0x90: {  	_ =	swait.ge [sflag:s29], $0x4000  }
0x91: {  	[sflag:s29] =	ssyncset.done $0x0  }
.Ltmp1:
0x92: {  	s13 =	sadd.s32 $0x1480, s11;
	[sflag:s29] =	ssyncadd.s32 $0xFFFFC000;
	(pc) =	sbr.rel @p1 .LBB2_4-.Ltmp1, $4  }
0x93: {  	[spmem:s3] =	stream.indirect.scatter.add.f32 [tilespmem:s26], [sflag:$0x3], $0x80, s13, s24, $0xb8;
	[tilespmem:$0x1E400] =	vst v63  }
0x94: {  	_ =	swait.ge [sflag:s22], $0x4000  }
0x95: {  	[sflag:s22] =	ssyncset.done $0x0  }
0x96: {  	s11 =	sadd.s32 $0x180, s11;
	[sflag:s22] =	ssyncadd.s32 $0xFFFFC000  }
0x97: {  	[tilespmem:s26], [sflag:$0x2] =	stream.indirect.gather [hbm4b:s1+s24], $0x80, s11, s24, $0xb8;
	[tilespmem:$0x1E400] =	vst v63  }
0x98: {  	_ =	swait.ge [sflag:s28], $0x4000  }
0x99: {  	[sflag:s28] =	ssyncset.done $0x0  }
0x9a: {  	[sflag:s28] =	ssyncadd.s32 $0xFFFFC000  }
0x9b: {  	[spmem:s3] =	stream.indirect.scatter.add.f32 [tilespmem:s25], [sflag:$0x3], $0x80, s30, s24, $0xb8;
	[tilespmem:$0x1E400] =	vst v63  }
0x9c: {  	_ =	swait.ge [sflag:s22], $0x4000  }
0x9d: {  	[sflag:s22] =	ssyncset.done $0x0  }
0x9e: {  	[sflag:s22] =	ssyncadd.s32 $0xFFFFC000  }
0x9f: {  	_ =	swait.ge [sflag:s29], $0x4000  }
0xa0: {  	[sflag:s29] =	ssyncset.done $0x0  }
0xa1: {  	[sflag:s29] =	ssyncadd.s32 $0xFFFFC000  }
0xa2: {  	[spmem:s3] =	stream.indirect.scatter.add.f32 [tilespmem:s26], [sflag:$0x3], $0x80, s31, s24, $0xb8;
	[tilespmem:$0x1E400] =	vst v63  }
0xa3: {  	_ =	swait.ge [sflag:s22], $0x4000  }
0xa4: {  	[sflag:s22] =	ssyncset.done $0x0  }
0xa5: {  	[sflag:s22] =	ssyncadd.s32 $0xFFFFC000  }
0xa6: {  	[bflag:$0x0] =	sbarrier.arrive $0xFFFF  }
0xa7: {  	[hbm:s17], [sflag:s12] =	dma.local [spmem:s2], $0x800  }
0xa8: {  	_ =	swait.ge [sflag:s22], $0x800  }
0xa9: {  	[sflag:s22] =	ssyncset.done $0x0  }
0xaa: {  	[sflag:s22] =	ssyncadd.s32 $0xFFFFF800  }
0xab: {  	[hbm:s18], [sflag:s12] =	dma.local [spmem:s6], $0x800  }
0xac: {  	_ =	swait.ge [sflag:s22], $0x800  }
0xad: {  	[sflag:s22] =	ssyncset.done $0x0  }
0xae: {  	[sflag:s22] =	ssyncadd.s32 $0xFFFFF800  }
0xaf: {  	[hbm:s19], [sflag:s12] =	dma.local [spmem:s7], $0x800  }
0xb0: {  	_ =	swait.ge [sflag:s22], $0x800  }
0xb1: {  	[sflag:s22] =	ssyncset.done $0x0  }
0xb2: {  	[sflag:s22] =	ssyncadd.s32 $0xFFFFF800  }
0xb3: {  	[hbm:s20], [sflag:s12] =	dma.local [spmem:s8], $0x800  }
0xb4: {  	_ =	swait.ge [sflag:s22], $0x800  }
0xb5: {  	[sflag:s22] =	ssyncset.done $0x0  }
0xb6: {  	s2 =	simm.s32 @!p0 $0x3;
	[sflag:s22] =	ssyncadd.s32 $0xFFFFF800  }
0xb7: {  	[hbm:s21], [sflag:s12] =	dma.local @!p0 [spmem:s9], $0x800  }
0xb8: {  	_ =	swait.ge @!p0 [sflag:s2], $0x800  }
0xb9: {  	s0 =	sadd.s32 $0x1, s0;
	s13 =	rddreg [dreg:$0x8]  }
0xba: {  	p1 =	sne.s32 s0, s13  }
.Ltmp2:
0xbb: {  	_ = 	snop;
	(pc) =	sbr.rel @p1 .LBB2_1-.Ltmp2, $3  }
0xbc: {  	_ =	sdelay $0x1  }
0xbd: {  	[sflag:s2] =	ssyncset.done @!p0 $0x0  }
0xbe: {  	[sflag:s2] =	ssyncadd.s32 @!p0 $0xFFFFF800  }
0xbf: {  	_ =	sfence.sel $0x180000  }
0xc0: {  	[bflag:$0x0] =	sbarrier.arrive $0xFFFF  }
0xc1: {  	_ =	strace $0x9000004A  }
0xc2: {  	s0 =	stileid.u32;
	[bflag:$0x2] =	sbarrier.arrive $0xFFFF  }
0xc3: {  	p0 =	sne.s32 s0, $0x0;
	s0 =	rddreg [dreg:$0x3]  }
0xc4: {  	s0 =	sadd.s32 @!p0 $0x100000, s0  }
0xc5: {  	[sflag:s0] =	ssyncadd.tile.s32 @!p0 $0x1;
	_ =	shalt  }
.Lfunc_end2:
_tile_overlayer_lowered:
.L_overlay_start_2:
0xc6: {  	(tag) =	ssettag $0x2  }
0xc7: {  	s0 =	rddreg [dreg:$0x0];
	s2 =	stileid.u32  }
0xc8: {  	s1 =	rddreg [dreg:$0x1];
	p0 =	sne.s32 s2, $0x0  }
0xc9: {  	s3 =	rddreg [dreg:$0x2];
	[bflag:$0x3] =	sbarrier.arrive $0xFFFF;
	s2 =	simm.s32 @!p0 $0x1C03  }
0xca: {  	[timem:s3], [sflag:s2] =	dma.local @!p0 [hbm:s0], s1  }
0xcb: {  	s0 =	simm.s32 @!p0 $0x3  }
0xcc: {  	_ =	swait.ge @!p0 [sflag:s0], s1  }
0xcd: {  	s1 =	ssub.s32 @!p0 $0x0, s1;
	[sflag:s0] =	ssyncset.done @!p0 $0x0  }
0xce: {  	[sflag:s0] =	ssyncadd.s32 @!p0 s1  }
0xcf: {  	[bflag:$0x3] =	sbarrier.arrive $0xFFFF  }
0xd0: {  	_ =	shalt  }

// kernel: kernel.7.cloned.1.call-start
scs
__scs_entry_jumppad:
0x0: {  	(pc) =	sbr.rel $0x88, $3  }
0x1: {  	(tag) =	ssettag $0x0;
	lr =	simm.s32 $0x1  }
0x2: {  	[smem:$0x3F96] =	sst lr;
	_ =	strace $0xD0000000  }
0x3: {  	_ = 	snop  }
0x4: {  	_ = 	snop  }
0x5: {  	_ = 	snop  }
0x6: {  	_ = 	snop  }
0x7: {  	_ = 	snop  }
__scs_overlays_trampoline_lowered:
0x8: {  	[smem:$0x3FA5] =	sst s0  }
0x9: {  	[smem:$0x3FA6] =	sst s1  }
0xa: {  	[smem:$0x3FA7] =	sst s2  }
0xb: {  	[smem:$0x3FA8] =	sst s3  }
0xc: {  	[smem:$0x3FA9] =	sst s4  }
0xd: {  	[smem:$0x3FAA] =	sst s5  }
0xe: {  	[smem:$0x3FAB] =	sst s6  }
0xf: {  	[smem:$0x3FAC] =	sst s7  }
0x10: {  	[smem:$0x3FAD] =	sst s8  }
0x11: {  	[smem:$0x3FAE] =	sst s9;
	s0 =	simm.s32 @!p0 $0x0  }
0x12: {  	s1 =	sld [smem:$0x3F94];
	s0 =	simm.s32 @p0 $0x1  }
0x13: {  	[smem:$0x3FAF] =	sst s0;
	s0 =	simm.s32 @!p1 $0x0  }
0x14: {  	s2 =	sld [smem:$0x3F93];
	s0 =	simm.s32 @p1 $0x1  }
0x15: {  	[smem:$0x3FB0] =	sst s0;
	s0 =	simm.s32 @!p2 $0x0  }
0x16: {  	s3 =	sld [smem:$0x3FDB];
	s0 =	simm.s32 @p2 $0x1  }
0x17: {  	s4 =	simm.s32 $0x1BF5;
	[smem:$0x3FB2] =	sst s0  }
0x18: {  	s0 =	sld [smem:$0x3F95];
	_ =	swait.ge [sflag:s4], $0x0  }
0x19: {  	s7 =	sld [smem:$0x3F96]  }
0x1a: {  	s8 =	sadd.s32 $0xFFFFE003, lr  }
0x1b: {  	s9 =	sadd.s32 $0xFFFFFEF7, lr;
	s5 =	simm.s32 $0xFFFFFFFF;
	p2 =	slt.u32 s8, $0xFFFFF086  }
0x1c: {  	p1 =	slt.u32 s9, $0xF7A;
	s5 =	simm.s32 @!p2 $0x0  }
0x1d: {  	s5 =	simm.s32 @p1 $0x1;
	p0 =	seq.s32 s7, s2  }
0x1e: {  	s7 =	smul.u32 @!p0 $0xF7A, s2;
	p2 =	seq.s32 @!p0 s5, $0x0  }
0x1f: {  	s9 =	smul.u32 $0xF7A, s1;
	s8 =	simm.s32 @!p0 $0x1BF5;
	p2 =	por !p2, p0  }
0x20: {  	[sflag:s8] =	ssyncset.s32 @!p0 $0xFFFFF086;
	s6 =	sadd.s32 @!p0 s3, s7;
	s7 =	simm.s32 @!p0 $0x108  }
0x21: {  	s3 =	sadd.s32 s3, s9;
	s6 =	sadd.s32 @!p0 $0x88, s6;
	s7 =	simm.s32 @p2 $0x1082  }
0x22: {  	[simem:s7], [sflag:s8] =	dma.local @!p0 [hbm:s6], $0xF7A  }
0x23: {  	s9 =	sor.u32 $0xD0000000, s2;
	s6 =	simm.s32 $0x108;
	_ =	swait.ge @!p0 [sflag:s8], $0x0  }
0x24: {  	s3 =	sadd.s32 $0x88, s3;
	s6 =	simm.s32 @!p1 $0x1082;
	[sflag:s4] =	ssyncset.s32 $0xFFFFF086  }
0x25: {  	[simem:s6], [sflag:s4] =	dma.local [hbm:s3], $0xF7A  }
0x26: {  	[smem:$0x3F96] =	sst s1;
	(tag) =	ssettag s2;
	_ =	strace s9  }
0x27: {  	s1 =	sld [smem:$0x3FA6]  }
0x28: {  	s2 =	sld [smem:$0x3FA7]  }
0x29: {  	s4 =	sld [smem:$0x3FA9]  }
0x2a: {  	p0 =	seq.s32 s5, $0x0;
	s5 =	sld [smem:$0x3FAA]  }
0x2b: {  	s6 =	sld [smem:$0x3FAB]  }
0x2c: {  	s7 =	sld [smem:$0x3FAC]  }
0x2d: {  	s3 =	simm.s32 $0x108;
	s8 =	sld [smem:$0x3FAD]  }
0x2e: {  	s3 =	simm.s32 @!p0 $0x1082;
	s9 =	sld [smem:$0x3FAE]  }
0x2f: {  	lr =	sadd.s32 s0, s3;
	s0 =	sld [smem:$0x3FA5]  }
0x30: {  	s3 =	sld [smem:$0x3FA8]  }
0x31: {  	[smem:$0x3FB1] =	sst s10  }
0x32: {  	s10 =	sld [smem:$0x3FAF];
	_ =	sdelay $0x3  }
0x33: {  	p0 =	seq.s32 s10, $0x1;
	s10 =	sld [smem:$0x3FB1];
	_ =	sdelay $0x3  }
0x34: {  	[smem:$0x3FB1] =	sst s10  }
0x35: {  	s10 =	sld [smem:$0x3FB0];
	_ =	sdelay $0x3  }
0x36: {  	p1 =	seq.s32 s10, $0x1;
	s10 =	sld [smem:$0x3FB1];
	_ =	sdelay $0x3  }
0x37: {  	[smem:$0x3FB1] =	sst s10  }
0x38: {  	s10 =	sld [smem:$0x3FB2]  }
0x39: {  	_ = 	snop;
	(pc) =	sbr.ind lr, $3  }
0x3a: {  	_ = 	snop  }
0x3b: {  	_ = 	snop  }
0x3c: {  	p2 =	seq.s32 s10, $0x1;
	s10 =	sld [smem:$0x3FB1]  }
0x3d: {  	_ =	shalt  }
0x3e: {  	_ =	shalt  }
0x3f: {  	_ =	shalt  }
0x40: {  	_ =	shalt  }
0x41: {  	_ =	shalt  }
0x42: {  	_ =	shalt  }
0x43: {  	_ =	shalt  }
0x44: {  	_ =	shalt  }
0x45: {  	_ =	shalt  }
0x46: {  	_ =	shalt  }
0x47: {  	_ =	shalt  }
0x48: {  	_ =	shalt  }
0x49: {  	_ =	shalt  }
0x4a: {  	_ =	shalt  }
0x4b: {  	_ =	shalt  }
0x4c: {  	_ =	shalt  }
0x4d: {  	_ =	shalt  }
0x4e: {  	_ =	shalt  }
0x4f: {  	_ =	shalt  }
0x50: {  	_ =	shalt  }
0x51: {  	_ =	shalt  }
0x52: {  	_ =	shalt  }
0x53: {  	_ =	shalt  }
0x54: {  	_ =	shalt  }
0x55: {  	_ =	shalt  }
0x56: {  	_ =	shalt  }
0x57: {  	_ =	shalt  }
0x58: {  	_ =	shalt  }
0x59: {  	_ =	shalt  }
0x5a: {  	_ =	shalt  }
0x5b: {  	_ =	shalt  }
0x5c: {  	_ =	shalt  }
0x5d: {  	_ =	shalt  }
0x5e: {  	_ =	shalt  }
0x5f: {  	_ =	shalt  }
0x60: {  	_ =	shalt  }
0x61: {  	_ =	shalt  }
0x62: {  	_ =	shalt  }
0x63: {  	_ =	shalt  }
0x64: {  	_ =	shalt  }
0x65: {  	_ =	shalt  }
0x66: {  	_ =	shalt  }
0x67: {  	_ =	shalt  }
0x68: {  	_ =	shalt  }
0x69: {  	_ =	shalt  }
0x6a: {  	_ =	shalt  }
0x6b: {  	_ =	shalt  }
0x6c: {  	_ =	shalt  }
0x6d: {  	_ =	shalt  }
0x6e: {  	_ =	shalt  }
0x6f: {  	_ =	shalt  }
0x70: {  	_ =	shalt  }
0x71: {  	_ =	shalt  }
0x72: {  	_ =	shalt  }
0x73: {  	_ =	shalt  }
0x74: {  	_ =	shalt  }
0x75: {  	_ =	shalt  }
0x76: {  	_ =	shalt  }
0x77: {  	_ =	shalt  }
0x78: {  	_ =	shalt  }
0x79: {  	_ =	shalt  }
0x7a: {  	_ =	shalt  }
0x7b: {  	_ =	shalt  }
0x7c: {  	_ =	shalt  }
0x7d: {  	_ =	shalt  }
0x7e: {  	_ =	shalt  }
0x7f: {  	_ =	shalt  }
0x80: {  	_ =	shalt  }
0x81: {  	_ =	shalt  }
0x82: {  	_ =	shalt  }
0x83: {  	_ =	shalt  }
0x84: {  	_ =	shalt  }
0x85: {  	_ =	shalt  }
0x86: {  	_ =	shalt  }
0x87: {  	_ =	shalt  }
.Lfunc_end0:
.L_simem_size_0:
called_computation_lowered:
.L_overlay_start_0:
0x88: {  	s2 =	sld [smem:$0x3FD9]  }
0x89: {  	s3 =	sld [smem:$0x3FFE];
	_ =	sdelay $0x1  }
0x8a: {  	s1 =	srdreg.scid  }
0x8b: {  	s0 =	sand.u32 $0x1, s1  }
0x8c: {  	s14 =	sshll.u32 s0, $0xA;
	s2 =	sadd.s32 s3, s2  }
0x8d: {  	s2 =	sadd.s32 s2, s14  }
0x8e: {  	[smem:$0x3FBD] =	sst s2  }
0x8f: {  	_ = 	snop  }
0x90: {  	s2 =	sld [smem:$0x3FD0];
	_ =	sdelay $0x2  }
0x91: {  	s15 =	simm.s32 $0xA;
	s4 =	simm.s32 $0x10  }
0x92: {  	[smem:s4], [sflag:s15] =	dma.local [hbm:s2], $0x1  }
0x93: {  	_ =	swait.eq [sflag:s15], $0x1  }
0x94: {  	[sflag:s15] =	ssyncset.done $0x0  }
0x95: {  	s16 =	sld [smem:$0x10];
	[sflag:s15] =	ssyncadd.s32 $0xFFFFFFFF  }
0x96: {  	s17 =	sld [smem:$0x11];
	(tm) =	ssettm $0x1  }
0x97: {  	s18 =	sld [smem:$0x3FFB];
	_ =	sdelay $0x3  }
0x98: {  	_ =	strace s18  }
0x99: {  	s4 =	sld [smem:$0x3FFC];
	_ =	sdelay $0x3  }
0x9a: {  	_ =	strace s4  }
0x9b: {  	s4 =	sld [smem:$0x3FFD];
	_ =	sdelay $0x3  }
0x9c: {  	_ =	strace s4  }
0x9d: {  	_ =	strace $0x8FFFFFFF  }
0x9e: {  	s19 =	sld [smem:$0x3FDB];
	_ =	sdelay $0x1  }
0x9f: {  	s5 =	simm.s32 $_scs_section_size  }
0xa0: {  	s6 =	simm.s32 $_size__tile_overlayer_lowered;
	s7 =	simm.s32 $_tile_overlayer_lowered  }
0xa1: {  	s22 =	simm.s32 $0x1BFF;
	s21 =	sshll.u32 s7, $0x1;
	s4 =	sadd.s32 s5, s19  }
0xa2: {  	s8 =	simm.s32 $0x0;
	s20 =	sshll.u32 s6, $0x1;
	s6 =	sadd.s32 s21, s4  }
0xa3: {  	[timem:s8], [sflag:s22] =	dma.local [hbm:s6], s20  }
0xa4: {  	_ =	swait.ge [sflag:s22], s20  }
0xa5: {  	s5 =	ssub.s32 $0x0, s20;
	[sflag:s22] =	ssyncset.done $0x0  }
0xa6: {  	[sflag:s22] =	ssyncadd.s32 s5;
	_ =	sdelay $0x1  }
0xa7: {  	s23 =	simm.s32 $0x1B8B  }
0xa8: {  	_ =	swait.ge [sflag:s23], $0x1  }
0xa9: {  	[sflag:s23] =	ssyncset.done $0x0  }
0xaa: {  	s25 =	simm.s32 $0x1B8E;
	s24 =	sld [smem:$0x3FFE];
	[sflag:s23] =	ssyncadd.s32 $0xFFFFFFFF  }
0xab: {  	s26 =	simm.s32 $execute0_lowered;
	[smem:$0x3FD2] =	sst s25  }
0xac: {  	s6 =	sshll.u32 s26, $0x1;
	_ =	strace $0x80000046;
	[dreg:$0x1] =	wrdreg $0xFFFFFFFF  }
0xad: {  	s28 =	simm.s32 $_size_execute0_lowered;
	s4 =	sadd.s32 s4, s6;
	[dreg:$0x0] =	wrdreg $0x0  }
0xae: {  	s6 =	sshll.u32 s28, $0x1;
	[dreg:$0x2] =	wrdreg s4  }
0xaf: {  	[dreg:$0x3] =	wrdreg s6  }
0xb0: {  	[dreg:$0x4] =	wrdreg $0xC0  }
0xb1: {  	_ =	task [dreg:s8], $0x5FFFF  }
0xb2: {  	[dreg:$0x1] =	wrdreg $0xFFFFFFFF  }
0xb3: {  	[dreg:$0x0] =	wrdreg $0x60  }
0xb4: {  	[dreg:$0x2] =	wrdreg s16  }
0xb5: {  	[dreg:$0x3] =	wrdreg s24  }
0xb6: {  	[dreg:$0x4] =	wrdreg s17  }
0xb7: {  	[dreg:$0x5] =	wrdreg $0x150000  }
0xb8: {  	[dreg:$0x6] =	wrdreg $0x9  }
0xb9: {  	_ =	task.clear_ibuf [dreg:s8], $0x7FFFF;
	_ =	strace $0x90000046  }
0xba: {  	s29 =	simm.s32 $0x9;
	_ =	strace $0x80000048  }
0xbb: {  	_ =	swait.ge [sflag:s29], $0x1  }
0xbc: {  	[sflag:s29] =	ssyncadd.s32 $0xFFFFFFFF  }
0xbd: {  	_ =	strace $0x90000048  }
0xbe: {  	_ =	sfence  }
0xbf: {  	s30 =	sld [smem:$0x0];
	_ =	sdelay $0x2  }
0xc0: {  	s31 =	sshll.u32 s1, $0xD;
	s1 =	sshrl.u32 s1, $0x2  }
0xc1: {  	s3 =	sand.u32 $0x4000, s31;
	s1 =	sadd.s32 s1, s30  }
0xc2: {  	s0 =	sor.u32 s3, s0;
	s1 =	sshll.u32 s1, $0x11  }
0xc3: {  	s0 =	sor.u32 s1, s0  }
0xc4: {  	s0 =	sadd.s32 $0x8F2B, s0  }
0xc5: {  	[sflag:s0] =	ssyncadd.remote.s32 $0x1  }
0xc6: {  	_ =	sfence.sel $0xFFFF  }
0xc7: {  	[dreg:$0x0] =	wrdreg $0xFFFFFFFF;
	(pc) =	sbr.abs _section_cstart, $3  }
0xc8: {  	[dreg:$0x1] =	wrdreg $0xFFFFFFFF  }
0xc9: {  	_ =	task.clear_ibuf [dreg:s8], $0x2FFFF;
	_ =	strace $0x9FFFFFFF  }
0xca: {  	(tm) =	ssettm $0x7FFFFFFF  }
0xcb: {  	_ =	shalt  }
tec
execute0_lowered:
.L_overlay_start_1:
0x0: {  	(tag) =	ssettag $0x1  }
0x1: {  	s1 =	rddreg [dreg:$0x0]  }
0x2: {  	s0 =	rddreg [dreg:$0x1];
	s2 =	srdreg.scid  }
0x3: {  	s11 =	stileid.u32;
	s7 =	rddreg [dreg:$0x2]  }
0x4: {  	s3 =	rddreg [dreg:$0x3];
	s18 =	simm.s32 $0x80;
	s19 =	simm.s32 $0x5000  }
0x5: {  	s20 =	simm.s32 $0x9000;
	s22 =	simm.s32 $0xD000;
	s24 =	simm.s32 $0x11000  }
0x6: {  	s28 =	simm.s32 $0x3;
	s29 =	simm.s32 $0x4;
	s31 =	simm.s32 $0x4E80  }
0x7: {  	s17 =	simm.s32 $0x0;
	s2 =	sand.u32 $0x1, s2;
	s4 =	sshll.u32 s11, $0x1  }
0x8: {  	s25 =	sshll.u32 s11, $0xE;
	s26 =	sshll.u32 s11, $0x6;
	s14 =	sor.u32 $0x20, s11  }
0x9: {  	s5 =	sor.u32 s2, s4;
	s4 =	simm.s32 $0x0;
	s9 =	ssub.s32 $0x2, s2  }
0xa: {  	s2 =	smul.u32 $0xA0000, s2;
	s13 =	sadd.s32 s25, s3;
	s30 =	sor.u32 $0x40000, s25  }
0xb: {  	s12 =	sshll.u32 s14, $0xE;
	p0 =	sgt.u32 s14, $0x27;
	s14 =	simm.s32 $0x5  }
0xc: {  	s8 =	smul.u32 $0x500, s5;
	[smem:$0x7FF] =	sst s4;
	s5 =	sadd.s32 $0x20200, s0  }
0xd: {  	s10 =	sshrl.u32 s9, $0x1;
	s15 =	sadd.s32 s30, s3;
	s16 =	sadd.s32 s12, s3  }
0xe: {  	s13 =	sshrl.u32 s13, $0x3;
	_ =	strace $0x80000047;
	s9 =	ssub.s32 s9, s10  }
0xf: {  	s10 =	sadd.s32 s2, s25;
	s11 =	sadd.s32 s2, s30;
	s2 =	sadd.s32 s2, s12  }
0x10: {  	s15 =	sshrl.u32 s15, $0x3;
	s16 =	sshrl.u32 @!p0 s16, $0x3;
	s25 =	simm.s32 $0x1  }
0x11: {  	s6 =	sadd.s32 s8, s0;
	s0 =	sadd.s32 $0x20A00, s0;
	s7 =	sadd.s32 s7, s8  }
0x12: {  	s8 =	smax.u32 s9, $0x1;
	s9 =	sor.u32 $0x1C05, s26;
	s10 =	sshrl.u32 s10, $0x3  }
0x13: {  	s11 =	sshrl.u32 s11, $0x3;
	s2 =	sshrl.u32 s2, $0x3;
	s26 =	simm.s32 $0x2  }
0x14: {  	s6 =	sadd.s32 $0x2200, s6;
	s10 =	sadd.s32 s0, s10;
	s11 =	sadd.s32 s0, s11  }
0x15: {  	s12 =	sadd.s32 s0, s2;
	s2 =	simm.s32 $0x4F00;
	s0 =	simm.s32 $0x4F80  }
.LBB2_1:
0x16: {  	[spmem:s13], [sflag:s9] =	dma.local [hbm:s5], $0x800  }
0x17: {  	_ =	swait.ge [sflag:s14], $0x800  }
0x18: {  	[sflag:s14] =	ssyncset.done $0x0  }
0x19: {  	[sflag:s14] =	ssyncadd.s32 $0xFFFFF800  }
0x1a: {  	[spmem:s15], [sflag:s9] =	dma.local [hbm:s5], $0x800  }
0x1b: {  	_ =	swait.ge [sflag:s14], $0x800  }
0x1c: {  	[sflag:s14] =	ssyncset.done $0x0  }
0x1d: {  	s21 =	simm.s32 @!p0 $0x5;
	[sflag:s14] =	ssyncadd.s32 $0xFFFFF800  }
0x1e: {  	[spmem:s16], [sflag:s9] =	dma.local @!p0 [hbm:s5], $0x800  }
0x1f: {  	_ =	swait.ge @!p0 [sflag:s21], $0x800  }
0x20: {  	[sflag:s21] =	ssyncset.done @!p0 $0x0  }
0x21: {  	[sflag:s21] =	ssyncadd.s32 @!p0 $0xFFFFF800  }
0x22: {  	[tilespmem:s4], [sflag:$0x5] =	stream.linear.gather [hbm4b:s6+s4], $0x2800, $0x38;
	[tilespmem:$0x1F000] =	vst v63  }
0x23: {  	_ =	swait.ge [sflag:s14], $0x2800  }
0x24: {  	[sflag:s14] =	ssyncset.done $0x0  }
0x25: {  	s23 =	simm.s32 $0x2800;
	[sflag:s14] =	ssyncadd.s32 $0xFFFFD800  }
0x26: {  	[tilespmem:s23], [sflag:$0x5] =	stream.linear.gather [hbm4b:s7+s4], $0x2800, $0x38;
	[tilespmem:$0x1F000] =	vst v63  }
0x27: {  	_ =	swait.ge [sflag:s14], $0x2800  }
0x28: {  	[sflag:s14] =	ssyncset.done $0x0  }
0x29: {  	[sflag:s14] =	ssyncadd.s32 $0xFFFFD800  }
0x2a: {  	[bflag:$0x0] =	sbarrier.arrive $0xFFFF  }
0x2b: {  	[tilespmem:s19], [sflag:$0x1] =	stream.indirect.gather [hbm4b:s1+s18], $0x80, s4, s18, $0xb8;
	[tilespmem:$0x1F000] =	vst v63  }
0x2c: {  	_ = 	snop  }
0x2d: {  	[tilespmem:s20], [sflag:$0x2] =	stream.indirect.gather [hbm4b:s1+s18], $0x80, s18, s18, $0xb8;
	[tilespmem:$0x1F000] =	vst v63  }
0x2e: {  	s30 =	simm.s32 $0x100  }
0x2f: {  	[tilespmem:s22], [sflag:$0x3] =	stream.indirect.gather [hbm4b:s1+s18], $0x80, s30, s18, $0xb8;
	[tilespmem:$0x1F000] =	vst v63  }
0x30: {  	s23 =	simm.s32 $0x180  }
0x31: {  	[tilespmem:s24], [sflag:$0x4] =	stream.indirect.gather [hbm4b:s1+s18], $0x80, s23, s18, $0xb8;
	[tilespmem:$0x1F000] =	vst v63  }
0x32: {  	_ =	swait.ge [sflag:s25], $0x4000  }
0x33: {  	[sflag:s25] =	ssyncset.done $0x0  }
0x34: {  	s30 =	simm.s32 $0x2800;
	[sflag:s25] =	ssyncadd.s32 $0xFFFFC000  }
0x35: {  	[spmem:s3] =	stream.indirect.scatter.add.f32 [tilespmem:s19], [sflag:$0x5], $0x80, s30, s18, $0xb8;
	[tilespmem:$0x1F000] =	vst v63  }
0x36: {  	_ =	swait.ge [sflag:s14], $0x4000  }
0x37: {  	[sflag:s14] =	ssyncset.done $0x0  }
0x38: {  	s23 =	simm.s32 $0x200;
	[sflag:s14] =	ssyncadd.s32 $0xFFFFC000  }
0x39: {  	[tilespmem:s19], [sflag:$0x1] =	stream.indirect.gather [hbm4b:s1+s18], $0x80, s23, s18, $0xb8;
	[tilespmem:$0x1F000] =	vst v63  }
0x3a: {  	_ =	swait.ge [sflag:s26], $0x4000  }
0x3b: {  	[sflag:s26] =	ssyncset.done $0x0  }
0x3c: {  	s30 =	simm.s32 $0x2880;
	[sflag:s26] =	ssyncadd.s32 $0xFFFFC000  }
0x3d: {  	[spmem:s3] =	stream.indirect.scatter.add.f32 [tilespmem:s20], [sflag:$0x5], $0x80, s30, s18, $0xb8;
	[tilespmem:$0x1F000] =	vst v63  }
0x3e: {  	_ =	swait.ge [sflag:s14], $0x4000  }
0x3f: {  	[sflag:s14] =	ssyncset.done $0x0  }
0x40: {  	s23 =	simm.s32 $0x280;
	[sflag:s14] =	ssyncadd.s32 $0xFFFFC000  }
0x41: {  	[tilespmem:s20], [sflag:$0x2] =	stream.indirect.gather [hbm4b:s1+s18], $0x80, s23, s18, $0xb8;
	[tilespmem:$0x1F000] =	vst v63  }
0x42: {  	_ =	swait.ge [sflag:s28], $0x4000  }
0x43: {  	[sflag:s28] =	ssyncset.done $0x0  }
0x44: {  	s30 =	simm.s32 $0x2900;
	[sflag:s28] =	ssyncadd.s32 $0xFFFFC000  }
0x45: {  	[spmem:s3] =	stream.indirect.scatter.add.f32 [tilespmem:s22], [sflag:$0x5], $0x80, s30, s18, $0xb8;
	[tilespmem:$0x1F000] =	vst v63  }
0x46: {  	_ =	swait.ge [sflag:s14], $0x4000  }
0x47: {  	[sflag:s14] =	ssyncset.done $0x0  }
0x48: {  	s23 =	simm.s32 $0x300;
	[sflag:s14] =	ssyncadd.s32 $0xFFFFC000  }
0x49: {  	[tilespmem:s22], [sflag:$0x3] =	stream.indirect.gather [hbm4b:s1+s18], $0x80, s23, s18, $0xb8;
	[tilespmem:$0x1F000] =	vst v63  }
0x4a: {  	_ =	swait.ge [sflag:s29], $0x4000  }
0x4b: {  	[sflag:s29] =	ssyncset.done $0x0  }
0x4c: {  	s30 =	simm.s32 $0x2980;
	[sflag:s29] =	ssyncadd.s32 $0xFFFFC000  }
0x4d: {  	[spmem:s3] =	stream.indirect.scatter.add.f32 [tilespmem:s24], [sflag:$0x5], $0x80, s30, s18, $0xb8;
	[tilespmem:$0x1F000] =	vst v63  }
0x4e: {  	_ =	swait.ge [sflag:s14], $0x4000  }
0x4f: {  	[sflag:s14] =	ssyncset.done $0x0  }
0x50: {  	s21 =	simm.s32 $0x800;
	s23 =	simm.s32 $0x380;
	[sflag:s14] =	ssyncadd.s32 $0xFFFFC000  }
.LBB2_2:
0x51: {  	[tilespmem:s24], [sflag:$0x4] =	stream.indirect.gather [hbm4b:s1+s18], $0x80, s23, s18, $0xb8;
	[tilespmem:$0x1F000] =	vst v63  }
0x52: {  	s23 =	smov.u32 s21  }
0x53: {  	p1 =	sne.s32 s21, $0x9000;
	s21 =	sadd.s32 $0x800, s21;
	_ =	swait.ge [sflag:s25], $0x4000  }
0x54: {  	s23 =	sshra.s32 s23, $0x2;
	[sflag:s25] =	ssyncset.done $0x0  }
0x55: {  	s30 =	sadd.s32 $0x2800, s23;
	[sflag:s25] =	ssyncadd.s32 $0xFFFFC000  }
0x56: {  	[spmem:s3] =	stream.indirect.scatter.add.f32 [tilespmem:s19], [sflag:$0x5], $0x80, s30, s18, $0xb8;
	[tilespmem:$0x1F000] =	vst v63  }
0x57: {  	_ =	swait.ge [sflag:s14], $0x4000  }
0x58: {  	[sflag:s14] =	ssyncset.done $0x0  }
0x59: {  	s30 =	sadd.s32 $0x200, s23;
	[sflag:s14] =	ssyncadd.s32 $0xFFFFC000  }
0x5a: {  	[tilespmem:s19], [sflag:$0x1] =	stream.indirect.gather [hbm4b:s1+s18], $0x80, s30, s18, $0xb8;
	[tilespmem:$0x1F000] =	vst v63  }
0x5b: {  	_ =	swait.ge [sflag:s26], $0x4000  }
0x5c: {  	[sflag:s26] =	ssyncset.done $0x0  }
0x5d: {  	s30 =	sadd.s32 $0x2880, s23;
	[sflag:s26] =	ssyncadd.s32 $0xFFFFC000  }
0x5e: {  	[spmem:s3] =	stream.indirect.scatter.add.f32 [tilespmem:s20], [sflag:$0x5], $0x80, s30, s18, $0xb8;
	[tilespmem:$0x1F000] =	vst v63  }
0x5f: {  	_ =	swait.ge [sflag:s14], $0x4000  }
0x60: {  	[sflag:s14] =	ssyncset.done $0x0  }
0x61: {  	s30 =	sadd.s32 $0x280, s23;
	[sflag:s14] =	ssyncadd.s32 $0xFFFFC000  }
0x62: {  	[tilespmem:s20], [sflag:$0x2] =	stream.indirect.gather [hbm4b:s1+s18], $0x80, s30, s18, $0xb8;
	[tilespmem:$0x1F000] =	vst v63  }
0x63: {  	_ =	swait.ge [sflag:s28], $0x4000  }
0x64: {  	[sflag:s28] =	ssyncset.done $0x0  }
0x65: {  	s30 =	sadd.s32 $0x2900, s23;
	[sflag:s28] =	ssyncadd.s32 $0xFFFFC000  }
0x66: {  	[spmem:s3] =	stream.indirect.scatter.add.f32 [tilespmem:s22], [sflag:$0x5], $0x80, s30, s18, $0xb8;
	[tilespmem:$0x1F000] =	vst v63  }
0x67: {  	_ =	swait.ge [sflag:s14], $0x4000  }
0x68: {  	[sflag:s14] =	ssyncset.done $0x0  }
0x69: {  	s30 =	sadd.s32 $0x300, s23;
	[sflag:s14] =	ssyncadd.s32 $0xFFFFC000  }
0x6a: {  	[tilespmem:s22], [sflag:$0x3] =	stream.indirect.gather [hbm4b:s1+s18], $0x80, s30, s18, $0xb8;
	[tilespmem:$0x1F000] =	vst v63  }
0x6b: {  	_ =	swait.ge [sflag:s29], $0x4000  }
0x6c: {  	[sflag:s29] =	ssyncset.done $0x0  }
.Ltmp0:
0x6d: {  	s30 =	sadd.s32 $0x2980, s23;
	[sflag:s29] =	ssyncadd.s32 $0xFFFFC000;
	(pc) =	sbr.rel @p1 .LBB2_2-.Ltmp0, $4  }
0x6e: {  	[spmem:s3] =	stream.indirect.scatter.add.f32 [tilespmem:s24], [sflag:$0x5], $0x80, s30, s18, $0xb8;
	[tilespmem:$0x1F000] =	vst v63  }
0x6f: {  	_ =	swait.ge [sflag:s14], $0x4000  }
0x70: {  	[sflag:s14] =	ssyncset.done $0x0  }
0x71: {  	s23 =	sadd.s32 $0x380, s23;
	[sflag:s14] =	ssyncadd.s32 $0xFFFFC000  }
0x72: {  	[tilespmem:s24], [sflag:$0x4] =	stream.indirect.gather [hbm4b:s1+s18], $0x80, s23, s18, $0xb8;
	[tilespmem:$0x1F000] =	vst v63  }
0x73: {  	_ =	swait.ge [sflag:s25], $0x4000  }
0x74: {  	[sflag:s25] =	ssyncset.done $0x0  }
0x75: {  	s21 =	simm.s32 $0x4E00;
	[sflag:s25] =	ssyncadd.s32 $0xFFFFC000  }
0x76: {  	[spmem:s3] =	stream.indirect.scatter.add.f32 [tilespmem:s19], [sflag:$0x5], $0x80, s21, s18, $0xb8;
	[tilespmem:$0x1F000] =	vst v63  }
0x77: {  	_ =	swait.ge [sflag:s14], $0x4000  }
0x78: {  	[sflag:s14] =	ssyncset.done $0x0  }
0x79: {  	[sflag:s14] =	ssyncadd.s32 $0xFFFFC000  }
0x7a: {  	_ =	swait.ge [sflag:s26], $0x4000  }
0x7b: {  	[sflag:s26] =	ssyncset.done $0x0  }
0x7c: {  	[sflag:s26] =	ssyncadd.s32 $0xFFFFC000  }
0x7d: {  	[spmem:s3] =	stream.indirect.scatter.add.f32 [tilespmem:s20], [sflag:$0x5], $0x80, s31, s18, $0xb8;
	[tilespmem:$0x1F000] =	vst v63  }
0x7e: {  	_ =	swait.ge [sflag:s14], $0x4000  }
0x7f: {  	[sflag:s14] =	ssyncset.done $0x0  }
0x80: {  	[sflag:s14] =	ssyncadd.s32 $0xFFFFC000  }
0x81: {  	_ =	swait.ge [sflag:s28], $0x4000  }
0x82: {  	[sflag:s28] =	ssyncset.done $0x0  }
0x83: {  	[sflag:s28] =	ssyncadd.s32 $0xFFFFC000  }
0x84: {  	[spmem:s3] =	stream.indirect.scatter.add.f32 [tilespmem:s22], [sflag:$0x5], $0x80, s2, s18, $0xb8;
	[tilespmem:$0x1F000] =	vst v63  }
0x85: {  	_ =	swait.ge [sflag:s14], $0x4000  }
0x86: {  	[sflag:s14] =	ssyncset.done $0x0  }
0x87: {  	[sflag:s14] =	ssyncadd.s32 $0xFFFFC000  }
0x88: {  	_ =	swait.ge [sflag:s29], $0x4000  }
0x89: {  	[sflag:s29] =	ssyncset.done $0x0  }
0x8a: {  	[sflag:s29] =	ssyncadd.s32 $0xFFFFC000  }
0x8b: {  	[spmem:s3] =	stream.indirect.scatter.add.f32 [tilespmem:s24], [sflag:$0x5], $0x80, s0, s18, $0xb8;
	[tilespmem:$0x1F000] =	vst v63  }
0x8c: {  	_ =	swait.ge [sflag:s14], $0x4000  }
0x8d: {  	[sflag:s14] =	ssyncset.done $0x0  }
0x8e: {  	[sflag:s14] =	ssyncadd.s32 $0xFFFFC000  }
0x8f: {  	[bflag:$0x0] =	sbarrier.arrive $0xFFFF  }
0x90: {  	[hbm:s10], [sflag:s9] =	dma.local [spmem:s13], $0x800  }
0x91: {  	_ =	swait.ge [sflag:s14], $0x800  }
0x92: {  	[sflag:s14] =	ssyncset.done $0x0  }
0x93: {  	[sflag:s14] =	ssyncadd.s32 $0xFFFFF800  }
0x94: {  	[hbm:s11], [sflag:s9] =	dma.local [spmem:s15], $0x800  }
0x95: {  	s17 =	sadd.s32 $0x1, s17;
	_ =	swait.ge [sflag:s14], $0x800  }
0x96: {  	p1 =	sne.s32 s17, s8;
	[sflag:s14] =	ssyncset.done $0x0  }
.Ltmp1:
0x97: {  	s21 =	simm.s32 @!p0 $0x5;
	[sflag:s14] =	ssyncadd.s32 $0xFFFFF800;
	(pc) =	sbr.rel @p1 .LBB2_1-.Ltmp1, $4  }
0x98: {  	[hbm:s12], [sflag:s9] =	dma.local @!p0 [spmem:s16], $0x800  }
0x99: {  	_ =	swait.ge @!p0 [sflag:s21], $0x800  }
0x9a: {  	[sflag:s21] =	ssyncset.done @!p0 $0x0  }
0x9b: {  	[sflag:s21] =	ssyncadd.s32 @!p0 $0xFFFFF800  }
0x9c: {  	_ =	sfence.sel $0x180000  }
0x9d: {  	[bflag:$0x0] =	sbarrier.arrive $0xFFFF  }
0x9e: {  	_ =	strace $0x90000047  }
0x9f: {  	s0 =	stileid.u32;
	[bflag:$0x2] =	sbarrier.arrive $0xFFFF  }
0xa0: {  	p0 =	sne.s32 s0, $0x0;
	s0 =	rddreg [dreg:$0x4]  }
0xa1: {  	s0 =	sadd.s32 @!p0 $0x100000, s0  }
0xa2: {  	[sflag:s0] =	ssyncadd.tile.s32 @!p0 $0x1;
	_ =	shalt  }
.Lfunc_end2:
_tile_overlayer_lowered:
.L_overlay_start_2:
0xa3: {  	(tag) =	ssettag $0x2  }
0xa4: {  	s0 =	rddreg [dreg:$0x0];
	s2 =	stileid.u32  }
0xa5: {  	s1 =	rddreg [dreg:$0x1];
	p0 =	sne.s32 s2, $0x0  }
0xa6: {  	s3 =	rddreg [dreg:$0x2];
	[bflag:$0x3] =	sbarrier.arrive $0xFFFF;
	s2 =	simm.s32 @!p0 $0x1C05  }
0xa7: {  	[timem:s3], [sflag:s2] =	dma.local @!p0 [hbm:s0], s1  }
0xa8: {  	s0 =	simm.s32 @!p0 $0x5  }
0xa9: {  	_ =	swait.ge @!p0 [sflag:s0], s1  }
0xaa: {  	s1 =	ssub.s32 @!p0 $0x0, s1;
	[sflag:s0] =	ssyncset.done @!p0 $0x0  }
0xab: {  	[sflag:s0] =	ssyncadd.s32 @!p0 s1  }
0xac: {  	[bflag:$0x3] =	sbarrier.arrive $0xFFFF  }
0xad: {  	_ =	shalt  }

</sc_bundles>
